<compile_context>
chip_gen: v7x
topology: tpu7x:2x2x1
jax: 0.10.2.dev20260603
libtpu: 0.0.44.dev20260713+nightly
codegen_flags: <defaults>
</compile_context>

<pallas_src>
import functools

import jax
import jax.numpy as jnp
from jax import lax
from jax.experimental import pallas as pl
from jax.experimental.pallas import tpu as pltpu
from jax.experimental.pallas import tpu_sc as plsc

N = 16384
C = 1000
K = N // 3
R = 2048

NW = 32
SLOTS = 176
SLOTS_PAD = 192
CH = 32
NCH = SLOTS_PAD // CH

_INT_MIN = -2147483648


def _gap_kernel(lab_ref, gap_ref, pseudo_ref):
    lab = lab_ref[...]
    gap2 = jnp.max(lab, axis=1, keepdims=True)
    colid = lax.broadcasted_iota(jnp.int32, (R, C), 1)
    pseudo2 = jnp.min(jnp.where(lab == gap2, colid, C), axis=1, keepdims=True)
    gap_ref[...] = gap2
    pseudo_ref[...] = pseudo2


def _rank_kernel(gap_ref, rankm_ref):
    gap = gap_ref[...]
    ki = lax.bitcast_convert_type(gap, jnp.int32)
    keys = jnp.where(ki >= 0, ki, ki ^ 0x7FFFFFFF)
    io0 = lax.broadcasted_iota(jnp.int32, (128, 128), 0)
    io1 = lax.broadcasted_iota(jnp.int32, (128, 128), 1)
    idx = io0 * 128 + io1

    def count_ge(t):
        return jnp.sum((keys >= t).astype(jnp.int32))

    t = jnp.where(count_ge(jnp.int32(0)) >= K, jnp.int32(0), jnp.int32(_INT_MIN))
    for b in range(30, -1, -1):
        cand = t + jnp.int32(1 << b)
        t = jnp.where(count_ge(cand) >= K, cand, t)

    tie = keys == t
    need = jnp.int32(K) - jnp.sum((keys > t).astype(jnp.int32))
    lo = jnp.int32(0)
    for b in range(14, -1, -1):
        cand = lo + jnp.int32(1 << b)
        cnt = jnp.sum((tie & (idx < cand)).astype(jnp.int32))
        lo = jnp.where(cnt < need, cand, lo)

    mask = (keys > t) | (tie & (idx <= lo))
    mf = mask.astype(jnp.float32)
    upper = (io0 <= io1).astype(jnp.float32)
    colcum = jnp.dot(mf, upper, preferred_element_type=jnp.float32)
    rowtot = colcum[:, 127:128]
    lstrict = (io1 < io0).astype(jnp.float32)
    rowoff = jnp.dot(lstrict, rowtot, preferred_element_type=jnp.float32)
    rank = rowoff + colcum - mf
    rankm_ref[...] = jnp.where(mask, rank, -1.0)


def _sc_body(pre_hbm, rankm_hbm, pseudo_hbm, parts_hbm,
             rankm_vm, pseudo_vm, ids_vm, rows_vm, m_vm, s_vm, pk_vm,
             sem0, sem1):
    wid = lax.axis_index("s") * 2 + lax.axis_index("c")
    lane = lax.broadcasted_iota(jnp.int32, (16,), 0)
    pltpu.sync_copy(rankm_hbm, rankm_vm)
    pltpu.sync_copy(pseudo_hbm, pseudo_vm)
    for j in range(SLOTS_PAD // 16):
        m_vm[pl.ds(j * 16, 16)] = jnp.zeros((16,), jnp.float32)
        s_vm[pl.ds(j * 16, 16)] = jnp.ones((16,), jnp.float32)
        pk_vm[pl.ds(j * 16, 16)] = jnp.zeros((16,), jnp.float32)
    for comp, buf in ((0, m_vm), (1, s_vm), (2, pk_vm)):
        pltpu.sync_copy(buf, parts_hbm.at[comp, wid])


_sc_call = pl.kernel(
    _sc_body,
    out_type=jax.ShapeDtypeStruct((3, NW, SLOTS_PAD), jnp.float32),
    mesh=plsc.VectorSubcoreMesh(core_axis_name="c", subcore_axis_name="s"),
    scratch_types=[
        pltpu.VMEM((N,), jnp.float32),
        pltpu.VMEM((N,), jnp.int32),
        pltpu.VMEM((SLOTS_PAD,), jnp.int32),
        pltpu.VMEM((2, CH, C), jnp.float32),
        pltpu.VMEM((SLOTS_PAD,), jnp.float32),
        pltpu.VMEM((SLOTS_PAD,), jnp.float32),
        pltpu.VMEM((SLOTS_PAD,), jnp.float32),
        pltpu.SemaphoreType.DMA,
        pltpu.SemaphoreType.DMA,
    ],
    compiler_params=pltpu.CompilerParams(needs_layout_passes=False),
)


def _finish_kernel(parts_ref, out_ref):
    parts = parts_ref[...]
    m = parts[0]
    s = parts[1]
    p = parts[2]
    io0 = lax.broadcasted_iota(jnp.int32, (NW, SLOTS_PAD), 0)
    io1 = lax.broadcasted_iota(jnp.int32, (NW, SLOTS_PAD), 1)
    valid = (io1 < SLOTS) & (io0 * SLOTS + io1 < K)
    v = m + jnp.log(s) - p
    out_ref[0, 0] = jnp.sum(jnp.where(valid, v, 0.0)) / K


@jax.jit
def kernel(preLogits, Label):
    gap, pseudo = pl.pallas_call(
        _gap_kernel,
        grid=(N // R,),
        in_specs=[pl.BlockSpec((R, C), lambda i: (i, 0))],
        out_specs=[
            pl.BlockSpec((R, 1), lambda i: (i, 0)),
            pl.BlockSpec((R, 1), lambda i: (i, 0)),
        ],
        out_shape=[
            jax.ShapeDtypeStruct((N, 1), jnp.float32),
            jax.ShapeDtypeStruct((N, 1), jnp.int32),
        ],
        compiler_params=pltpu.CompilerParams(
            dimension_semantics=("parallel",)),
    )(Label)

    rankm = pl.pallas_call(
        _rank_kernel,
        in_specs=[pl.BlockSpec((128, 128), lambda: (0, 0))],
        out_specs=pl.BlockSpec((128, 128), lambda: (0, 0)),
        out_shape=jax.ShapeDtypeStruct((128, 128), jnp.float32),
    )(gap.reshape(128, 128))

    parts = _sc_call(preLogits, rankm.reshape(N), pseudo.reshape(N))

    loss = pl.pallas_call(
        _finish_kernel,
        in_specs=[pl.BlockSpec((3, NW, SLOTS_PAD), lambda: (0, 0, 0))],
        out_specs=pl.BlockSpec(memory_space=pltpu.SMEM),
        out_shape=jax.ShapeDtypeStruct((1, 1), jnp.float32),
    )(parts)
    return loss[0, 0]

# --- scband reference (transcript-rebuilt; emitter-appended) ---
"""Pipeline reference for scband-sort-strategy3-cross-entropy-loss-8452495638816 (READ-ONLY COPY).

The authoritative reference and input builder live on the scoring server;
editing this copy changes nothing except your own understanding.
"""

import jax, jax.numpy as jnp
import numpy as np


def setup_inputs(seed: int = 0) -> dict:
    key = jax.random.key(seed)
    k1, k2 = jax.random.split(key)
    preLogits = jax.random.normal(k1, (16384, 1000), dtype=jnp.float32)
    Label = jax.random.uniform(k2, (16384, 1000), dtype=jnp.float32)
    return {"preLogits": preLogits, "Label": Label}


def reference(preLogits, Label):
    # gap = torch.max(Label, 1)[0]
    gap = jnp.max(Label, axis=1)
    # idxs = torch.argsort(gap, dim=0, descending=True)
    idxs = jnp.argsort(-gap)
    # end = int(len(idxs) / 3)
    end = preLogits.shape[0] // 3
    sel = idxs[:end]
    # high_prob / high_label gathers (torch.stack over indexed rows == fancy gather)
    high_prob = jnp.take(preLogits, sel, axis=0)
    high_label = jnp.take(Label, sel, axis=0)
    # Pseudolabels = torch.argmax(high_label, 1)
    pseudo = jnp.argmax(high_label, axis=1)
    # nn.CrossEntropyLoss() = mean NLL of log_softmax at target index
    logp = jax.nn.log_softmax(high_prob, axis=1)
    picked = jnp.take_along_axis(logp, pseudo[:, None], axis=1)[:, 0]
    loss = -jnp.mean(picked)
    return loss

if __name__ == "__main__":
    import jax
    _d = setup_inputs()
    print(jax.jit(kernel)(*tuple(_d.values())))

</pallas_src>

<mosaic_0001>
#map = affine_map<(d0, d1) -> (0, 0)>
#map1 = affine_map<(d0, d1) -> (0)>
#map2 = affine_map<(d0, d1) -> (0, 0, 0)>
module attributes {stable_mosaic.version = 14 : i64} {
  func.func @_sc_body(%arg0: i32, %arg1: i32, %arg2: memref<16384x1000xf32, #tpu.memory_space<hbm>>, %arg3: memref<16384xf32, #tpu.memory_space<hbm>>, %arg4: memref<16384xi32, #tpu.memory_space<hbm>>, %arg5: memref<3x32x192xf32, #tpu.memory_space<hbm>>, %arg6: memref<16384xf32, #tpu.memory_space<vmem>>, %arg7: memref<16384xi32, #tpu.memory_space<vmem>>, %arg8: memref<192xi32, #tpu.memory_space<vmem>>, %arg9: memref<2x32x1000xf32, #tpu.memory_space<vmem>>, %arg10: memref<192xf32, #tpu.memory_space<vmem>>, %arg11: memref<192xf32, #tpu.memory_space<vmem>>, %arg12: memref<192xf32, #tpu.memory_space<vmem>>, %arg13: memref<!tpu.dma_semaphore, #tpu.memory_space<semaphore_mem>>, %arg14: memref<!tpu.dma_semaphore, #tpu.memory_space<semaphore_mem>>) attributes {dimension_semantics = [#tpu.dimension_semantics<core_parallel>, #tpu.dimension_semantics<subcore_parallel>], iteration_bounds = array<i64: 2, 16>, scalar_prefetch = 0 : i64, scratch_operands = 9 : i64, tpu.core_type = #tpu.core_type<sc_vector_subcore>, window_params = [{transform_indices = #map}, {transform_indices = #map1}, {transform_indices = #map1}, {transform_indices = #map2}]} {
    %mul3A = arith.constant 2 : i32
    %mul3A_0 = arith.muli %arg1, %mul3A : i32
    %add3A = arith.addi %mul3A_0, %arg0 : i32
    %iota3A = tpu.iota {dimensions = array<i32: 0>} : vector<16xi32>
    "tpu.region"() ({
      %run_scoped3A_145 = tpu.sem_alloc : memref<!tpu.dma_semaphore, #tpu.memory_space<semaphore_mem>>
      tpu.enqueue_dma source(%arg3 : memref<16384xf32, #tpu.memory_space<hbm>>) target(%arg6 : memref<16384xf32, #tpu.memory_space<vmem>>) target_semaphore(%run_scoped3A_145 : memref<!tpu.dma_semaphore, #tpu.memory_space<semaphore_mem>>)
      tpu.wait_dma2 semaphore(%run_scoped3A_145 : memref<!tpu.dma_semaphore, #tpu.memory_space<semaphore_mem>>) src(%arg3 : memref<16384xf32, #tpu.memory_space<hbm>>) dst(%arg6 : memref<16384xf32, #tpu.memory_space<vmem>>)
      tpu.yield
    }) : () -> ()
    "tpu.region"() ({
      %run_scoped3A_145 = tpu.sem_alloc : memref<!tpu.dma_semaphore, #tpu.memory_space<semaphore_mem>>
      tpu.enqueue_dma source(%arg4 : memref<16384xi32, #tpu.memory_space<hbm>>) target(%arg7 : memref<16384xi32, #tpu.memory_space<vmem>>) target_semaphore(%run_scoped3A_145 : memref<!tpu.dma_semaphore, #tpu.memory_space<semaphore_mem>>)
      tpu.wait_dma2 semaphore(%run_scoped3A_145 : memref<!tpu.dma_semaphore, #tpu.memory_space<semaphore_mem>>) src(%arg4 : memref<16384xi32, #tpu.memory_space<hbm>>) dst(%arg7 : memref<16384xi32, #tpu.memory_space<vmem>>)
      tpu.yield
    }) : () -> ()
    %broadcast_in_dim3A = arith.constant 0.000000e+00 : f32
    %broadcast_in_dim3A_1 = vector.broadcast %broadcast_in_dim3A : f32 to vector<16xf32>
    %swap3A = arith.constant 0 : index
    %swap3A_2 = tpu.vector_load %arg10[%swap3A] {strides = array<i32>} : memref<192xf32, #tpu.memory_space<vmem>>, vector<16xf32>,
    tpu.vector_store %arg10[%swap3A], %broadcast_in_dim3A_1 {strides = array<i32>} : memref<192xf32, #tpu.memory_space<vmem>>, vector<16xf32>,
    %broadcast_in_dim3A_3 = arith.constant 1.000000e+00 : f32
    %broadcast_in_dim3A_4 = vector.broadcast %broadcast_in_dim3A_3 : f32 to vector<16xf32>
    %swap3A_5 = arith.constant 0 : index
    %swap3A_6 = tpu.vector_load %arg11[%swap3A_5] {strides = array<i32>} : memref<192xf32, #tpu.memory_space<vmem>>, vector<16xf32>,
    tpu.vector_store %arg11[%swap3A_5], %broadcast_in_dim3A_4 {strides = array<i32>} : memref<192xf32, #tpu.memory_space<vmem>>, vector<16xf32>,
    %broadcast_in_dim3A_7 = arith.constant 0.000000e+00 : f32
    %broadcast_in_dim3A_8 = vector.broadcast %broadcast_in_dim3A_7 : f32 to vector<16xf32>
    %swap3A_9 = arith.constant 0 : index
    %swap3A_10 = tpu.vector_load %arg12[%swap3A_9] {strides = array<i32>} : memref<192xf32, #tpu.memory_space<vmem>>, vector<16xf32>,
    tpu.vector_store %arg12[%swap3A_9], %broadcast_in_dim3A_8 {strides = array<i32>} : memref<192xf32, #tpu.memory_space<vmem>>, vector<16xf32>,
    %broadcast_in_dim3A_11 = arith.constant 0.000000e+00 : f32
    %broadcast_in_dim3A_12 = vector.broadcast %broadcast_in_dim3A_11 : f32 to vector<16xf32>
    %swap3A_13 = arith.constant 16 : index
    %swap3A_14 = tpu.vector_load %arg10[%swap3A_13] {strides = array<i32>} : memref<192xf32, #tpu.memory_space<vmem>>, vector<16xf32>,
    tpu.vector_store %arg10[%swap3A_13], %broadcast_in_dim3A_12 {strides = array<i32>} : memref<192xf32, #tpu.memory_space<vmem>>, vector<16xf32>,
    %broadcast_in_dim3A_15 = arith.constant 1.000000e+00 : f32
    %broadcast_in_dim3A_16 = vector.broadcast %broadcast_in_dim3A_15 : f32 to vector<16xf32>
    %swap3A_17 = arith.constant 16 : index
    %swap3A_18 = tpu.vector_load %arg11[%swap3A_17] {strides = array<i32>} : memref<192xf32, #tpu.memory_space<vmem>>, vector<16xf32>,
    tpu.vector_store %arg11[%swap3A_17], %broadcast_in_dim3A_16 {strides = array<i32>} : memref<192xf32, #tpu.memory_space<vmem>>, vector<16xf32>,
    %broadcast_in_dim3A_19 = arith.constant 0.000000e+00 : f32
    %broadcast_in_dim3A_20 = vector.broadcast %broadcast_in_dim3A_19 : f32 to vector<16xf32>
    %swap3A_21 = arith.constant 16 : index
    %swap3A_22 = tpu.vector_load %arg12[%swap3A_21] {strides = array<i32>} : memref<192xf32, #tpu.memory_space<vmem>>, vector<16xf32>,
    tpu.vector_store %arg12[%swap3A_21], %broadcast_in_dim3A_20 {strides = array<i32>} : memref<192xf32, #tpu.memory_space<vmem>>, vector<16xf32>,
    %broadcast_in_dim3A_23 = arith.constant 0.000000e+00 : f32
    %broadcast_in_dim3A_24 = vector.broadcast %broadcast_in_dim3A_23 : f32 to vector<16xf32>
    %swap3A_25 = arith.constant 32 : index
    %swap3A_26 = tpu.vector_load %arg10[%swap3A_25] {strides = array<i32>} : memref<192xf32, #tpu.memory_space<vmem>>, vector<16xf32>,
    tpu.vector_store %arg10[%swap3A_25], %broadcast_in_dim3A_24 {strides = array<i32>} : memref<192xf32, #tpu.memory_space<vmem>>, vector<16xf32>,
    %broadcast_in_dim3A_27 = arith.constant 1.000000e+00 : f32
    %broadcast_in_dim3A_28 = vector.broadcast %broadcast_in_dim3A_27 : f32 to vector<16xf32>
    %swap3A_29 = arith.constant 32 : index
    %swap3A_30 = tpu.vector_load %arg11[%swap3A_29] {strides = array<i32>} : memref<192xf32, #tpu.memory_space<vmem>>, vector<16xf32>,
    tpu.vector_store %arg11[%swap3A_29], %broadcast_in_dim3A_28 {strides = array<i32>} : memref<192xf32, #tpu.memory_space<vmem>>, vector<16xf32>,
    %broadcast_in_dim3A_31 = arith.constant 0.000000e+00 : f32
    %broadcast_in_dim3A_32 = vector.broadcast %broadcast_in_dim3A_31 : f32 to vector<16xf32>
    %swap3A_33 = arith.constant 32 : index
    %swap3A_34 = tpu.vector_load %arg12[%swap3A_33] {strides = array<i32>} : memref<192xf32, #tpu.memory_space<vmem>>, vector<16xf32>,
    tpu.vector_store %arg12[%swap3A_33], %broadcast_in_dim3A_32 {strides = array<i32>} : memref<192xf32, #tpu.memory_space<vmem>>, vector<16xf32>,
    %broadcast_in_dim3A_35 = arith.constant 0.000000e+00 : f32
    %broadcast_in_dim3A_36 = vector.broadcast %broadcast_in_dim3A_35 : f32 to vector<16xf32>
    %swap3A_37 = arith.constant 48 : index
    %swap3A_38 = tpu.vector_load %arg10[%swap3A_37] {strides = array<i32>} : memref<192xf32, #tpu.memory_space<vmem>>, vector<16xf32>,
    tpu.vector_store %arg10[%swap3A_37], %broadcast_in_dim3A_36 {strides = array<i32>} : memref<192xf32, #tpu.memory_space<vmem>>, vector<16xf32>,
    %broadcast_in_dim3A_39 = arith.constant 1.000000e+00 : f32
    %broadcast_in_dim3A_40 = vector.broadcast %broadcast_in_dim3A_39 : f32 to vector<16xf32>
    %swap3A_41 = arith.constant 48 : index
    %swap3A_42 = tpu.vector_load %arg11[%swap3A_41] {strides = array<i32>} : memref<192xf32, #tpu.memory_space<vmem>>, vector<16xf32>,
    tpu.vector_store %arg11[%swap3A_41], %broadcast_in_dim3A_40 {strides = array<i32>} : memref<192xf32, #tpu.memory_space<vmem>>, vector<16xf32>,
    %broadcast_in_dim3A_43 = arith.constant 0.000000e+00 : f32
    %broadcast_in_dim3A_44 = vector.broadcast %broadcast_in_dim3A_43 : f32 to vector<16xf32>
    %swap3A_45 = arith.constant 48 : index
    %swap3A_46 = tpu.vector_load %arg12[%swap3A_45] {strides = array<i32>} : memref<192xf32, #tpu.memory_space<vmem>>, vector<16xf32>,
    tpu.vector_store %arg12[%swap3A_45], %broadcast_in_dim3A_44 {strides = array<i32>} : memref<192xf32, #tpu.memory_space<vmem>>, vector<16xf32>,
    %broadcast_in_dim3A_47 = arith.constant 0.000000e+00 : f32
    %broadcast_in_dim3A_48 = vector.broadcast %broadcast_in_dim3A_47 : f32 to vector<16xf32>
    %swap3A_49 = arith.constant 64 : index
    %swap3A_50 = tpu.vector_load %arg10[%swap3A_49] {strides = array<i32>} : memref<192xf32, #tpu.memory_space<vmem>>, vector<16xf32>,
    tpu.vector_store %arg10[%swap3A_49], %broadcast_in_dim3A_48 {strides = array<i32>} : memref<192xf32, #tpu.memory_space<vmem>>, vector<16xf32>,
    %broadcast_in_dim3A_51 = arith.constant 1.000000e+00 : f32
    %broadcast_in_dim3A_52 = vector.broadcast %broadcast_in_dim3A_51 : f32 to vector<16xf32>
    %swap3A_53 = arith.constant 64 : index
    %swap3A_54 = tpu.vector_load %arg11[%swap3A_53] {strides = array<i32>} : memref<192xf32, #tpu.memory_space<vmem>>, vector<16xf32>,
    tpu.vector_store %arg11[%swap3A_53], %broadcast_in_dim3A_52 {strides = array<i32>} : memref<192xf32, #tpu.memory_space<vmem>>, vector<16xf32>,
    %broadcast_in_dim3A_55 = arith.constant 0.000000e+00 : f32
    %broadcast_in_dim3A_56 = vector.broadcast %broadcast_in_dim3A_55 : f32 to vector<16xf32>
    %swap3A_57 = arith.constant 64 : index
    %swap3A_58 = tpu.vector_load %arg12[%swap3A_57] {strides = array<i32>} : memref<192xf32, #tpu.memory_space<vmem>>, vector<16xf32>,
    tpu.vector_store %arg12[%swap3A_57], %broadcast_in_dim3A_56 {strides = array<i32>} : memref<192xf32, #tpu.memory_space<vmem>>, vector<16xf32>,
    %broadcast_in_dim3A_59 = arith.constant 0.000000e+00 : f32
    %broadcast_in_dim3A_60 = vector.broadcast %broadcast_in_dim3A_59 : f32 to vector<16xf32>
    %swap3A_61 = arith.constant 80 : index
    %swap3A_62 = tpu.vector_load %arg10[%swap3A_61] {strides = array<i32>} : memref<192xf32, #tpu.memory_space<vmem>>, vector<16xf32>,
    tpu.vector_store %arg10[%swap3A_61], %broadcast_in_dim3A_60 {strides = array<i32>} : memref<192xf32, #tpu.memory_space<vmem>>, vector<16xf32>,
    %broadcast_in_dim3A_63 = arith.constant 1.000000e+00 : f32
    %broadcast_in_dim3A_64 = vector.broadcast %broadcast_in_dim3A_63 : f32 to vector<16xf32>
    %swap3A_65 = arith.constant 80 : index
    %swap3A_66 = tpu.vector_load %arg11[%swap3A_65] {strides = array<i32>} : memref<192xf32, #tpu.memory_space<vmem>>, vector<16xf32>,
    tpu.vector_store %arg11[%swap3A_65], %broadcast_in_dim3A_64 {strides = array<i32>} : memref<192xf32, #tpu.memory_space<vmem>>, vector<16xf32>,
    %broadcast_in_dim3A_67 = arith.constant 0.000000e+00 : f32
    %broadcast_in_dim3A_68 = vector.broadcast %broadcast_in_dim3A_67 : f32 to vector<16xf32>
    %swap3A_69 = arith.constant 80 : index
    %swap3A_70 = tpu.vector_load %arg12[%swap3A_69] {strides = array<i32>} : memref<192xf32, #tpu.memory_space<vmem>>, vector<16xf32>,
    tpu.vector_store %arg12[%swap3A_69], %broadcast_in_dim3A_68 {strides = array<i32>} : memref<192xf32, #tpu.memory_space<vmem>>, vector<16xf32>,
    %broadcast_in_dim3A_71 = arith.constant 0.000000e+00 : f32
    %broadcast_in_dim3A_72 = vector.broadcast %broadcast_in_dim3A_71 : f32 to vector<16xf32>
    %swap3A_73 = arith.constant 96 : index
    %swap3A_74 = tpu.vector_load %arg10[%swap3A_73] {strides = array<i32>} : memref<192xf32, #tpu.memory_space<vmem>>, vector<16xf32>,
    tpu.vector_store %arg10[%swap3A_73], %broadcast_in_dim3A_72 {strides = array<i32>} : memref<192xf32, #tpu.memory_space<vmem>>, vector<16xf32>,
    %broadcast_in_dim3A_75 = arith.constant 1.000000e+00 : f32
    %broadcast_in_dim3A_76 = vector.broadcast %broadcast_in_dim3A_75 : f32 to vector<16xf32>
    %swap3A_77 = arith.constant 96 : index
    %swap3A_78 = tpu.vector_load %arg11[%swap3A_77] {strides = array<i32>} : memref<192xf32, #tpu.memory_space<vmem>>, vector<16xf32>,
    tpu.vector_store %arg11[%swap3A_77], %broadcast_in_dim3A_76 {strides = array<i32>} : memref<192xf32, #tpu.memory_space<vmem>>, vector<16xf32>,
    %broadcast_in_dim3A_79 = arith.constant 0.000000e+00 : f32
    %broadcast_in_dim3A_80 = vector.broadcast %broadcast_in_dim3A_79 : f32 to vector<16xf32>
    %swap3A_81 = arith.constant 96 : index
    %swap3A_82 = tpu.vector_load %arg12[%swap3A_81] {strides = array<i32>} : memref<192xf32, #tpu.memory_space<vmem>>, vector<16xf32>,
    tpu.vector_store %arg12[%swap3A_81], %broadcast_in_dim3A_80 {strides = array<i32>} : memref<192xf32, #tpu.memory_space<vmem>>, vector<16xf32>,
    %broadcast_in_dim3A_83 = arith.constant 0.000000e+00 : f32
    %broadcast_in_dim3A_84 = vector.broadcast %broadcast_in_dim3A_83 : f32 to vector<16xf32>
    %swap3A_85 = arith.constant 112 : index
    %swap3A_86 = tpu.vector_load %arg10[%swap3A_85] {strides = array<i32>} : memref<192xf32, #tpu.memory_space<vmem>>, vector<16xf32>,
    tpu.vector_store %arg10[%swap3A_85], %broadcast_in_dim3A_84 {strides = array<i32>} : memref<192xf32, #tpu.memory_space<vmem>>, vector<16xf32>,
    %broadcast_in_dim3A_87 = arith.constant 1.000000e+00 : f32
    %broadcast_in_dim3A_88 = vector.broadcast %broadcast_in_dim3A_87 : f32 to vector<16xf32>
    %swap3A_89 = arith.constant 112 : index
    %swap3A_90 = tpu.vector_load %arg11[%swap3A_89] {strides = array<i32>} : memref<192xf32, #tpu.memory_space<vmem>>, vector<16xf32>,
    tpu.vector_store %arg11[%swap3A_89], %broadcast_in_dim3A_88 {strides = array<i32>} : memref<192xf32, #tpu.memory_space<vmem>>, vector<16xf32>,
    %broadcast_in_dim3A_91 = arith.constant 0.000000e+00 : f32
    %broadcast_in_dim3A_92 = vector.broadcast %broadcast_in_dim3A_91 : f32 to vector<16xf32>
    %swap3A_93 = arith.constant 112 : index
    %swap3A_94 = tpu.vector_load %arg12[%swap3A_93] {strides = array<i32>} : memref<192xf32, #tpu.memory_space<vmem>>, vector<16xf32>,
    tpu.vector_store %arg12[%swap3A_93], %broadcast_in_dim3A_92 {strides = array<i32>} : memref<192xf32, #tpu.memory_space<vmem>>, vector<16xf32>,
    %broadcast_in_dim3A_95 = arith.constant 0.000000e+00 : f32
    %broadcast_in_dim3A_96 = vector.broadcast %broadcast_in_dim3A_95 : f32 to vector<16xf32>
    %swap3A_97 = arith.constant 128 : index
    %swap3A_98 = tpu.vector_load %arg10[%swap3A_97] {strides = array<i32>} : memref<192xf32, #tpu.memory_space<vmem>>, vector<16xf32>,
    tpu.vector_store %arg10[%swap3A_97], %broadcast_in_dim3A_96 {strides = array<i32>} : memref<192xf32, #tpu.memory_space<vmem>>, vector<16xf32>,
    %broadcast_in_dim3A_99 = arith.constant 1.000000e+00 : f32
    %broadcast_in_dim3A_100 = vector.broadcast %broadcast_in_dim3A_99 : f32 to vector<16xf32>
    %swap3A_101 = arith.constant 128 : index
    %swap3A_102 = tpu.vector_load %arg11[%swap3A_101] {strides = array<i32>} : memref<192xf32, #tpu.memory_space<vmem>>, vector<16xf32>,
    tpu.vector_store %arg11[%swap3A_101], %broadcast_in_dim3A_100 {strides = array<i32>} : memref<192xf32, #tpu.memory_space<vmem>>, vector<16xf32>,
    %broadcast_in_dim3A_103 = arith.constant 0.000000e+00 : f32
    %broadcast_in_dim3A_104 = vector.broadcast %broadcast_in_dim3A_103 : f32 to vector<16xf32>
    %swap3A_105 = arith.constant 128 : index
    %swap3A_106 = tpu.vector_load %arg12[%swap3A_105] {strides = array<i32>} : memref<192xf32, #tpu.memory_space<vmem>>, vector<16xf32>,
    tpu.vector_store %arg12[%swap3A_105], %broadcast_in_dim3A_104 {strides = array<i32>} : memref<192xf32, #tpu.memory_space<vmem>>, vector<16xf32>,
    %broadcast_in_dim3A_107 = arith.constant 0.000000e+00 : f32
    %broadcast_in_dim3A_108 = vector.broadcast %broadcast_in_dim3A_107 : f32 to vector<16xf32>
    %swap3A_109 = arith.constant 144 : index
    %swap3A_110 = tpu.vector_load %arg10[%swap3A_109] {strides = array<i32>} : memref<192xf32, #tpu.memory_space<vmem>>, vector<16xf32>,
    tpu.vector_store %arg10[%swap3A_109], %broadcast_in_dim3A_108 {strides = array<i32>} : memref<192xf32, #tpu.memory_space<vmem>>, vector<16xf32>,
    %broadcast_in_dim3A_111 = arith.constant 1.000000e+00 : f32
    %broadcast_in_dim3A_112 = vector.broadcast %broadcast_in_dim3A_111 : f32 to vector<16xf32>
    %swap3A_113 = arith.constant 144 : index
    %swap3A_114 = tpu.vector_load %arg11[%swap3A_113] {strides = array<i32>} : memref<192xf32, #tpu.memory_space<vmem>>, vector<16xf32>,
    tpu.vector_store %arg11[%swap3A_113], %broadcast_in_dim3A_112 {strides = array<i32>} : memref<192xf32, #tpu.memory_space<vmem>>, vector<16xf32>,
    %broadcast_in_dim3A_115 = arith.constant 0.000000e+00 : f32
    %broadcast_in_dim3A_116 = vector.broadcast %broadcast_in_dim3A_115 : f32 to vector<16xf32>
    %swap3A_117 = arith.constant 144 : index
    %swap3A_118 = tpu.vector_load %arg12[%swap3A_117] {strides = array<i32>} : memref<192xf32, #tpu.memory_space<vmem>>, vector<16xf32>,
    tpu.vector_store %arg12[%swap3A_117], %broadcast_in_dim3A_116 {strides = array<i32>} : memref<192xf32, #tpu.memory_space<vmem>>, vector<16xf32>,
    %broadcast_in_dim3A_119 = arith.constant 0.000000e+00 : f32
    %broadcast_in_dim3A_120 = vector.broadcast %broadcast_in_dim3A_119 : f32 to vector<16xf32>
    %swap3A_121 = arith.constant 160 : index
    %swap3A_122 = tpu.vector_load %arg10[%swap3A_121] {strides = array<i32>} : memref<192xf32, #tpu.memory_space<vmem>>, vector<16xf32>,
    tpu.vector_store %arg10[%swap3A_121], %broadcast_in_dim3A_120 {strides = array<i32>} : memref<192xf32, #tpu.memory_space<vmem>>, vector<16xf32>,
    %broadcast_in_dim3A_123 = arith.constant 1.000000e+00 : f32
    %broadcast_in_dim3A_124 = vector.broadcast %broadcast_in_dim3A_123 : f32 to vector<16xf32>
    %swap3A_125 = arith.constant 160 : index
    %swap3A_126 = tpu.vector_load %arg11[%swap3A_125] {strides = array<i32>} : memref<192xf32, #tpu.memory_space<vmem>>, vector<16xf32>,
    tpu.vector_store %arg11[%swap3A_125], %broadcast_in_dim3A_124 {strides = array<i32>} : memref<192xf32, #tpu.memory_space<vmem>>, vector<16xf32>,
    %broadcast_in_dim3A_127 = arith.constant 0.000000e+00 : f32
    %broadcast_in_dim3A_128 = vector.broadcast %broadcast_in_dim3A_127 : f32 to vector<16xf32>
    %swap3A_129 = arith.constant 160 : index
    %swap3A_130 = tpu.vector_load %arg12[%swap3A_129] {strides = array<i32>} : memref<192xf32, #tpu.memory_space<vmem>>, vector<16xf32>,
    tpu.vector_store %arg12[%swap3A_129], %broadcast_in_dim3A_128 {strides = array<i32>} : memref<192xf32, #tpu.memory_space<vmem>>, vector<16xf32>,
    %broadcast_in_dim3A_131 = arith.constant 0.000000e+00 : f32
    %broadcast_in_dim3A_132 = vector.broadcast %broadcast_in_dim3A_131 : f32 to vector<16xf32>
    %swap3A_133 = arith.constant 176 : index
    %swap3A_134 = tpu.vector_load %arg10[%swap3A_133] {strides = array<i32>} : memref<192xf32, #tpu.memory_space<vmem>>, vector<16xf32>,
    tpu.vector_store %arg10[%swap3A_133], %broadcast_in_dim3A_132 {strides = array<i32>} : memref<192xf32, #tpu.memory_space<vmem>>, vector<16xf32>,
    %broadcast_in_dim3A_135 = arith.constant 1.000000e+00 : f32
    %broadcast_in_dim3A_136 = vector.broadcast %broadcast_in_dim3A_135 : f32 to vector<16xf32>
    %swap3A_137 = arith.constant 176 : index
    %swap3A_138 = tpu.vector_load %arg11[%swap3A_137] {strides = array<i32>} : memref<192xf32, #tpu.memory_space<vmem>>, vector<16xf32>,
    tpu.vector_store %arg11[%swap3A_137], %broadcast_in_dim3A_136 {strides = array<i32>} : memref<192xf32, #tpu.memory_space<vmem>>, vector<16xf32>,
    %broadcast_in_dim3A_139 = arith.constant 0.000000e+00 : f32
    %broadcast_in_dim3A_140 = vector.broadcast %broadcast_in_dim3A_139 : f32 to vector<16xf32>
    %swap3A_141 = arith.constant 176 : index
    %swap3A_142 = tpu.vector_load %arg12[%swap3A_141] {strides = array<i32>} : memref<192xf32, #tpu.memory_space<vmem>>, vector<16xf32>,
    tpu.vector_store %arg12[%swap3A_141], %broadcast_in_dim3A_140 {strides = array<i32>} : memref<192xf32, #tpu.memory_space<vmem>>, vector<16xf32>,
    %run_scoped3A = arith.constant 0 : i32
    "tpu.region"() ({
      %run_scoped3A_145 = tpu.sem_alloc : memref<!tpu.dma_semaphore, #tpu.memory_space<semaphore_mem>>
      %dma_start3A = arith.constant 0 : i32
      %dma_start3A_146 = tpu.memref_slice %arg5[%run_scoped3A, %add3A, %dma_start3A] : memref<3x32x192xf32, #tpu.memory_space<hbm>> -> memref<1x1x192xf32, #tpu.memory_space<hbm>>
      %dma_start3A_147 = tpu.memref_squeeze %dma_start3A_146 : memref<1x1x192xf32, #tpu.memory_space<hbm>> -> memref<192xf32, #tpu.memory_space<hbm>>
      %dma_start3A_148 = arith.constant 0 : i32
      %dma_start3A_149 = tpu.memref_slice %arg5[%run_scoped3A, %add3A, %dma_start3A_148] : memref<3x32x192xf32, #tpu.memory_space<hbm>> -> memref<1x1x192xf32, #tpu.memory_space<hbm>>
      %dma_start3A_150 = tpu.memref_squeeze %dma_start3A_149 : memref<1x1x192xf32, #tpu.memory_space<hbm>> -> memref<192xf32, #tpu.memory_space<hbm>>
      tpu.enqueue_dma source(%arg10 : memref<192xf32, #tpu.memory_space<vmem>>) target(%dma_start3A_150 : memref<192xf32, #tpu.memory_space<hbm>>) target_semaphore(%run_scoped3A_145 : memref<!tpu.dma_semaphore, #tpu.memory_space<semaphore_mem>>)
      %dma_wait3A = arith.constant 0 : i32
      %dma_wait3A_151 = tpu.memref_slice %arg5[%run_scoped3A, %add3A, %dma_wait3A] : memref<3x32x192xf32, #tpu.memory_space<hbm>> -> memref<1x1x192xf32, #tpu.memory_space<hbm>>
      %dma_wait3A_152 = tpu.memref_squeeze %dma_wait3A_151 : memref<1x1x192xf32, #tpu.memory_space<hbm>> -> memref<192xf32, #tpu.memory_space<hbm>>
      %dma_wait3A_153 = arith.constant 0 : i32
      %dma_wait3A_154 = tpu.memref_slice %arg5[%run_scoped3A, %add3A, %dma_wait3A_153] : memref<3x32x192xf32, #tpu.memory_space<hbm>> -> memref<1x1x192xf32, #tpu.memory_space<hbm>>
      %dma_wait3A_155 = tpu.memref_squeeze %dma_wait3A_154 : memref<1x1x192xf32, #tpu.memory_space<hbm>> -> memref<192xf32, #tpu.memory_space<hbm>>
      tpu.wait_dma2 semaphore(%run_scoped3A_145 : memref<!tpu.dma_semaphore, #tpu.memory_space<semaphore_mem>>) src(%arg10 : memref<192xf32, #tpu.memory_space<vmem>>) dst(%dma_wait3A_155 : memref<192xf32, #tpu.memory_space<hbm>>)
      tpu.yield
    }) : () -> ()
    %run_scoped3A_143 = arith.constant 1 : i32
    "tpu.region"() ({
      %run_scoped3A_145 = tpu.sem_alloc : memref<!tpu.dma_semaphore, #tpu.memory_space<semaphore_mem>>
      %dma_start3A = arith.constant 0 : i32
      %dma_start3A_146 = tpu.memref_slice %arg5[%run_scoped3A_143, %add3A, %dma_start3A] : memref<3x32x192xf32, #tpu.memory_space<hbm>> -> memref<1x1x192xf32, #tpu.memory_space<hbm>>
      %dma_start3A_147 = tpu.memref_squeeze %dma_start3A_146 : memref<1x1x192xf32, #tpu.memory_space<hbm>> -> memref<192xf32, #tpu.memory_space<hbm>>
      %dma_start3A_148 = arith.constant 0 : i32
      %dma_start3A_149 = tpu.memref_slice %arg5[%run_scoped3A_143, %add3A, %dma_start3A_148] : memref<3x32x192xf32, #tpu.memory_space<hbm>> -> memref<1x1x192xf32, #tpu.memory_space<hbm>>
      %dma_start3A_150 = tpu.memref_squeeze %dma_start3A_149 : memref<1x1x192xf32, #tpu.memory_space<hbm>> -> memref<192xf32, #tpu.memory_space<hbm>>
      tpu.enqueue_dma source(%arg11 : memref<192xf32, #tpu.memory_space<vmem>>) target(%dma_start3A_150 : memref<192xf32, #tpu.memory_space<hbm>>) target_semaphore(%run_scoped3A_145 : memref<!tpu.dma_semaphore, #tpu.memory_space<semaphore_mem>>)
      %dma_wait3A = arith.constant 0 : i32
      %dma_wait3A_151 = tpu.memref_slice %arg5[%run_scoped3A_143, %add3A, %dma_wait3A] : memref<3x32x192xf32, #tpu.memory_space<hbm>> -> memref<1x1x192xf32, #tpu.memory_space<hbm>>
      %dma_wait3A_152 = tpu.memref_squeeze %dma_wait3A_151 : memref<1x1x192xf32, #tpu.memory_space<hbm>> -> memref<192xf32, #tpu.memory_space<hbm>>
      %dma_wait3A_153 = arith.constant 0 : i32
      %dma_wait3A_154 = tpu.memref_slice %arg5[%run_scoped3A_143, %add3A, %dma_wait3A_153] : memref<3x32x192xf32, #tpu.memory_space<hbm>> -> memref<1x1x192xf32, #tpu.memory_space<hbm>>
      %dma_wait3A_155 = tpu.memref_squeeze %dma_wait3A_154 : memref<1x1x192xf32, #tpu.memory_space<hbm>> -> memref<192xf32, #tpu.memory_space<hbm>>
      tpu.wait_dma2 semaphore(%run_scoped3A_145 : memref<!tpu.dma_semaphore, #tpu.memory_space<semaphore_mem>>) src(%arg11 : memref<192xf32, #tpu.memory_space<vmem>>) dst(%dma_wait3A_155 : memref<192xf32, #tpu.memory_space<hbm>>)
      tpu.yield
    }) : () -> ()
    %run_scoped3A_144 = arith.constant 2 : i32
    "tpu.region"() ({
      %run_scoped3A_145 = tpu.sem_alloc : memref<!tpu.dma_semaphore, #tpu.memory_space<semaphore_mem>>
      %dma_start3A = arith.constant 0 : i32
      %dma_start3A_146 = tpu.memref_slice %arg5[%run_scoped3A_144, %add3A, %dma_start3A] : memref<3x32x192xf32, #tpu.memory_space<hbm>> -> memref<1x1x192xf32, #tpu.memory_space<hbm>>
      %dma_start3A_147 = tpu.memref_squeeze %dma_start3A_146 : memref<1x1x192xf32, #tpu.memory_space<hbm>> -> memref<192xf32, #tpu.memory_space<hbm>>
      %dma_start3A_148 = arith.constant 0 : i32
      %dma_start3A_149 = tpu.memref_slice %arg5[%run_scoped3A_144, %add3A, %dma_start3A_148] : memref<3x32x192xf32, #tpu.memory_space<hbm>> -> memref<1x1x192xf32, #tpu.memory_space<hbm>>
      %dma_start3A_150 = tpu.memref_squeeze %dma_start3A_149 : memref<1x1x192xf32, #tpu.memory_space<hbm>> -> memref<192xf32, #tpu.memory_space<hbm>>
      tpu.enqueue_dma source(%arg12 : memref<192xf32, #tpu.memory_space<vmem>>) target(%dma_start3A_150 : memref<192xf32, #tpu.memory_space<hbm>>) target_semaphore(%run_scoped3A_145 : memref<!tpu.dma_semaphore, #tpu.memory_space<semaphore_mem>>)
      %dma_wait3A = arith.constant 0 : i32
      %dma_wait3A_151 = tpu.memref_slice %arg5[%run_scoped3A_144, %add3A, %dma_wait3A] : memref<3x32x192xf32, #tpu.memory_space<hbm>> -> memref<1x1x192xf32, #tpu.memory_space<hbm>>
      %dma_wait3A_152 = tpu.memref_squeeze %dma_wait3A_151 : memref<1x1x192xf32, #tpu.memory_space<hbm>> -> memref<192xf32, #tpu.memory_space<hbm>>
      %dma_wait3A_153 = arith.constant 0 : i32
      %dma_wait3A_154 = tpu.memref_slice %arg5[%run_scoped3A_144, %add3A, %dma_wait3A_153] : memref<3x32x192xf32, #tpu.memory_space<hbm>> -> memref<1x1x192xf32, #tpu.memory_space<hbm>>
      %dma_wait3A_155 = tpu.memref_squeeze %dma_wait3A_154 : memref<1x1x192xf32, #tpu.memory_space<hbm>> -> memref<192xf32, #tpu.memory_space<hbm>>
      tpu.wait_dma2 semaphore(%run_scoped3A_145 : memref<!tpu.dma_semaphore, #tpu.memory_space<semaphore_mem>>) src(%arg12 : memref<192xf32, #tpu.memory_space<vmem>>) dst(%dma_wait3A_155 : memref<192xf32, #tpu.memory_space<hbm>>)
      tpu.yield
    }) : () -> ()
    return
  }
}

module attributes {stable_mosaic.version = 14 : i64} {
  func.func @_rank_kernel(%arg0: memref<128x128xf32, #tpu.memory_space<vmem>>, %arg1: memref<128x128xf32, #tpu.memory_space<vmem>>) attributes {dimension_semantics = [], scalar_prefetch = 0 : i64, scratch_operands = 0 : i64, tpu.core_type = #tpu.core_type<tc>} {
    %get3A = arith.constant 0 : index
    %get3A_0 = arith.constant 0 : index
    %get3A_1 = vector.load %arg0[%get3A, %get3A_0] : memref<128x128xf32, #tpu.memory_space<vmem>>, vector<128x128xf32>
    %bitcast_convert_type3A = tpu.bitcast %get3A_1 : vector<128x128xf32> -> vector<128x128xi32>
    %ge3A = arith.constant 0 : i32
    %ge3A_2 = vector.broadcast %ge3A : i32 to vector<128x128xi32>
    %ge3A_3 = arith.cmpi sge, %bitcast_convert_type3A, %ge3A_2 : vector<128x128xi32>
    %xor3A = arith.constant 2147483647 : i32
    %xor3A_4 = vector.broadcast %xor3A : i32 to vector<128x128xi32>
    %xor3A_5 = arith.xori %bitcast_convert_type3A, %xor3A_4 : vector<128x128xi32>
    %select_n3A = arith.select %ge3A_3, %bitcast_convert_type3A, %xor3A_5 : vector<128x128xi1>, vector<128x128xi32>
    %iota3A = tpu.iota {dimensions = array<i32: 0>} : vector<128x128xi32>
    %iota3A_6 = tpu.iota {dimensions = array<i32: 1>} : vector<128x128xi32>
    %mul3A = arith.constant 128 : i32
    %mul3A_7 = vector.broadcast %mul3A : i32 to vector<128x128xi32>
    %mul3A_8 = arith.muli %iota3A, %mul3A_7 : vector<128x128xi32>
    %add3A = arith.addi %mul3A_8, %iota3A_6 : vector<128x128xi32>
    %ge3A_9 = arith.constant 0 : i32
    %ge3A_10 = vector.broadcast %ge3A_9 : i32 to vector<128x128xi32>
    %ge3A_11 = arith.cmpi sge, %select_n3A, %ge3A_10 : vector<128x128xi32>
    %convert_element_type3A = arith.extui %ge3A_11 : vector<128x128xi1> to vector<128x128xi32>
    %reduce_sum3A = vector.shape_cast %convert_element_type3A : vector<128x128xi32> to vector<1x128x128xi32>
    %reduce_sum3A_12 = arith.constant dense<0> : vector<1xi32>
    %reduce_sum3A_13 = vector.multi_reduction <add>, %reduce_sum3A, %reduce_sum3A_12 [1, 2] : vector<1x128x128xi32> to vector<1xi32>
    %reduce_sum3A_14 = vector.shape_cast %reduce_sum3A_13 : vector<1xi32> to vector<1x1x1xi32>
    %reduce_sum3A_15 = vector.extract %reduce_sum3A_14[0, 0, 0] : i32 from vector<1x1x1xi32>
    %ge3A_16 = arith.constant 5461 : i32
    %ge3A_17 = arith.cmpi sge, %reduce_sum3A_15, %ge3A_16 : i32
    %jit3A = arith.constant 0 : i32
    %jit3A_18 = arith.constant -2147483648 : i32
    %select_n3A_19 = arith.select %ge3A_17, %jit3A, %jit3A_18 : i32
    %add3A_20 = arith.constant 1073741824 : i32
    %add3A_21 = arith.addi %select_n3A_19, %add3A_20 : i32
    %ge3A_22 = vector.broadcast %add3A_21 : i32 to vector<128x128xi32>
    %ge3A_23 = arith.cmpi sge, %select_n3A, %ge3A_22 : vector<128x128xi32>
    %convert_element_type3A_24 = arith.extui %ge3A_23 : vector<128x128xi1> to vector<128x128xi32>
    %reduce_sum3A_25 = vector.shape_cast %convert_element_type3A_24 : vector<128x128xi32> to vector<1x128x128xi32>
    %reduce_sum3A_26 = arith.constant dense<0> : vector<1xi32>
    %reduce_sum3A_27 = vector.multi_reduction <add>, %reduce_sum3A_25, %reduce_sum3A_26 [1, 2] : vector<1x128x128xi32> to vector<1xi32>
    %reduce_sum3A_28 = vector.shape_cast %reduce_sum3A_27 : vector<1xi32> to vector<1x1x1xi32>
    %reduce_sum3A_29 = vector.extract %reduce_sum3A_28[0, 0, 0] : i32 from vector<1x1x1xi32>
    %ge3A_30 = arith.constant 5461 : i32
    %ge3A_31 = arith.cmpi sge, %reduce_sum3A_29, %ge3A_30 : i32
    %select_n3A_32 = arith.select %ge3A_31, %add3A_21, %select_n3A_19 : i32
    %add3A_33 = arith.constant 536870912 : i32
    %add3A_34 = arith.addi %select_n3A_32, %add3A_33 : i32
    %ge3A_35 = vector.broadcast %add3A_34 : i32 to vector<128x128xi32>
    %ge3A_36 = arith.cmpi sge, %select_n3A, %ge3A_35 : vector<128x128xi32>
    %convert_element_type3A_37 = arith.extui %ge3A_36 : vector<128x128xi1> to vector<128x128xi32>
    %reduce_sum3A_38 = vector.shape_cast %convert_element_type3A_37 : vector<128x128xi32> to vector<1x128x128xi32>
    %reduce_sum3A_39 = arith.constant dense<0> : vector<1xi32>
    %reduce_sum3A_40 = vector.multi_reduction <add>, %reduce_sum3A_38, %reduce_sum3A_39 [1, 2] : vector<1x128x128xi32> to vector<1xi32>
    %reduce_sum3A_41 = vector.shape_cast %reduce_sum3A_40 : vector<1xi32> to vector<1x1x1xi32>
    %reduce_sum3A_42 = vector.extract %reduce_sum3A_41[0, 0, 0] : i32 from vector<1x1x1xi32>
    %ge3A_43 = arith.constant 5461 : i32
    %ge3A_44 = arith.cmpi sge, %reduce_sum3A_42, %ge3A_43 : i32
    %select_n3A_45 = arith.select %ge3A_44, %add3A_34, %select_n3A_32 : i32
    %add3A_46 = arith.constant 268435456 : i32
    %add3A_47 = arith.addi %select_n3A_45, %add3A_46 : i32
    %ge3A_48 = vector.broadcast %add3A_47 : i32 to vector<128x128xi32>
    %ge3A_49 = arith.cmpi sge, %select_n3A, %ge3A_48 : vector<128x128xi32>
    %convert_element_type3A_50 = arith.extui %ge3A_49 : vector<128x128xi1> to vector<128x128xi32>
    %reduce_sum3A_51 = vector.shape_cast %convert_element_type3A_50 : vector<128x128xi32> to vector<1x128x128xi32>
    %reduce_sum3A_52 = arith.constant dense<0> : vector<1xi32>
    %reduce_sum3A_53 = vector.multi_reduction <add>, %reduce_sum3A_51, %reduce_sum3A_52 [1, 2] : vector<1x128x128xi32> to vector<1xi32>
    %reduce_sum3A_54 = vector.shape_cast %reduce_sum3A_53 : vector<1xi32> to vector<1x1x1xi32>
    %reduce_sum3A_55 = vector.extract %reduce_sum3A_54[0, 0, 0] : i32 from vector<1x1x1xi32>
    %ge3A_56 = arith.constant 5461 : i32
    %ge3A_57 = arith.cmpi sge, %reduce_sum3A_55, %ge3A_56 : i32
    %select_n3A_58 = arith.select %ge3A_57, %add3A_47, %select_n3A_45 : i32
    %add3A_59 = arith.constant 134217728 : i32
    %add3A_60 = arith.addi %select_n3A_58, %add3A_59 : i32
    %ge3A_61 = vector.broadcast %add3A_60 : i32 to vector<128x128xi32>
    %ge3A_62 = arith.cmpi sge, %select_n3A, %ge3A_61 : vector<128x128xi32>
    %convert_element_type3A_63 = arith.extui %ge3A_62 : vector<128x128xi1> to vector<128x128xi32>
    %reduce_sum3A_64 = vector.shape_cast %convert_element_type3A_63 : vector<128x128xi32> to vector<1x128x128xi32>
    %reduce_sum3A_65 = arith.constant dense<0> : vector<1xi32>
    %reduce_sum3A_66 = vector.multi_reduction <add>, %reduce_sum3A_64, %reduce_sum3A_65 [1, 2] : vector<1x128x128xi32> to vector<1xi32>
    %reduce_sum3A_67 = vector.shape_cast %reduce_sum3A_66 : vector<1xi32> to vector<1x1x1xi32>
    %reduce_sum3A_68 = vector.extract %reduce_sum3A_67[0, 0, 0] : i32 from vector<1x1x1xi32>
    %ge3A_69 = arith.constant 5461 : i32
    %ge3A_70 = arith.cmpi sge, %reduce_sum3A_68, %ge3A_69 : i32
    %select_n3A_71 = arith.select %ge3A_70, %add3A_60, %select_n3A_58 : i32
    %add3A_72 = arith.constant 67108864 : i32
    %add3A_73 = arith.addi %select_n3A_71, %add3A_72 : i32
    %ge3A_74 = vector.broadcast %add3A_73 : i32 to vector<128x128xi32>
    %ge3A_75 = arith.cmpi sge, %select_n3A, %ge3A_74 : vector<128x128xi32>
    %convert_element_type3A_76 = arith.extui %ge3A_75 : vector<128x128xi1> to vector<128x128xi32>
    %reduce_sum3A_77 = vector.shape_cast %convert_element_type3A_76 : vector<128x128xi32> to vector<1x128x128xi32>
    %reduce_sum3A_78 = arith.constant dense<0> : vector<1xi32>
    %reduce_sum3A_79 = vector.multi_reduction <add>, %reduce_sum3A_77, %reduce_sum3A_78 [1, 2] : vector<1x128x128xi32> to vector<1xi32>
    %reduce_sum3A_80 = vector.shape_cast %reduce_sum3A_79 : vector<1xi32> to vector<1x1x1xi32>
    %reduce_sum3A_81 = vector.extract %reduce_sum3A_80[0, 0, 0] : i32 from vector<1x1x1xi32>
    %ge3A_82 = arith.constant 5461 : i32
    %ge3A_83 = arith.cmpi sge, %reduce_sum3A_81, %ge3A_82 : i32
    %select_n3A_84 = arith.select %ge3A_83, %add3A_73, %select_n3A_71 : i32
    %add3A_85 = arith.constant 33554432 : i32
    %add3A_86 = arith.addi %select_n3A_84, %add3A_85 : i32
    %ge3A_87 = vector.broadcast %add3A_86 : i32 to vector<128x128xi32>
    %ge3A_88 = arith.cmpi sge, %select_n3A, %ge3A_87 : vector<128x128xi32>
    %convert_element_type3A_89 = arith.extui %ge3A_88 : vector<128x128xi1> to vector<128x128xi32>
    %reduce_sum3A_90 = vector.shape_cast %convert_element_type3A_89 : vector<128x128xi32> to vector<1x128x128xi32>
    %reduce_sum3A_91 = arith.constant dense<0> : vector<1xi32>
    %reduce_sum3A_92 = vector.multi_reduction <add>, %reduce_sum3A_90, %reduce_sum3A_91 [1, 2] : vector<1x128x128xi32> to vector<1xi32>
    %reduce_sum3A_93 = vector.shape_cast %reduce_sum3A_92 : vector<1xi32> to vector<1x1x1xi32>
    %reduce_sum3A_94 = vector.extract %reduce_sum3A_93[0, 0, 0] : i32 from vector<1x1x1xi32>
    %ge3A_95 = arith.constant 5461 : i32
    %ge3A_96 = arith.cmpi sge, %reduce_sum3A_94, %ge3A_95 : i32
    %select_n3A_97 = arith.select %ge3A_96, %add3A_86, %select_n3A_84 : i32
    %add3A_98 = arith.constant 16777216 : i32
    %add3A_99 = arith.addi %select_n3A_97, %add3A_98 : i32
    %ge3A_100 = vector.broadcast %add3A_99 : i32 to vector<128x128xi32>
    %ge3A_101 = arith.cmpi sge, %select_n3A, %ge3A_100 : vector<128x128xi32>
    %convert_element_type3A_102 = arith.extui %ge3A_101 : vector<128x128xi1> to vector<128x128xi32>
    %reduce_sum3A_103 = vector.shape_cast %convert_element_type3A_102 : vector<128x128xi32> to vector<1x128x128xi32>
    %reduce_sum3A_104 = arith.constant dense<0> : vector<1xi32>
    %reduce_sum3A_105 = vector.multi_reduction <add>, %reduce_sum3A_103, %reduce_sum3A_104 [1, 2] : vector<1x128x128xi32> to vector<1xi32>
    %reduce_sum3A_106 = vector.shape_cast %reduce_sum3A_105 : vector<1xi32> to vector<1x1x1xi32>
    %reduce_sum3A_107 = vector.extract %reduce_sum3A_106[0, 0, 0] : i32 from vector<1x1x1xi32>
    %ge3A_108 = arith.constant 5461 : i32
    %ge3A_109 = arith.cmpi sge, %reduce_sum3A_107, %ge3A_108 : i32
    %select_n3A_110 = arith.select %ge3A_109, %add3A_99, %select_n3A_97 : i32
    %add3A_111 = arith.constant 8388608 : i32
    %add3A_112 = arith.addi %select_n3A_110, %add3A_111 : i32
    %ge3A_113 = vector.broadcast %add3A_112 : i32 to vector<128x128xi32>
    %ge3A_114 = arith.cmpi sge, %select_n3A, %ge3A_113 : vector<128x128xi32>
    %convert_element_type3A_115 = arith.extui %ge3A_114 : vector<128x128xi1> to vector<128x128xi32>
    %reduce_sum3A_116 = vector.shape_cast %convert_element_type3A_115 : vector<128x128xi32> to vector<1x128x128xi32>
    %reduce_sum3A_117 = arith.constant dense<0> : vector<1xi32>
    %reduce_sum3A_118 = vector.multi_reduction <add>, %reduce_sum3A_116, %reduce_sum3A_117 [1, 2] : vector<1x128x128xi32> to vector<1xi32>
    %reduce_sum3A_119 = vector.shape_cast %reduce_sum3A_118 : vector<1xi32> to vector<1x1x1xi32>
    %reduce_sum3A_120 = vector.extract %reduce_sum3A_119[0, 0, 0] : i32 from vector<1x1x1xi32>
    %ge3A_121 = arith.constant 5461 : i32
    %ge3A_122 = arith.cmpi sge, %reduce_sum3A_120, %ge3A_121 : i32
    %select_n3A_123 = arith.select %ge3A_122, %add3A_112, %select_n3A_110 : i32
    %add3A_124 = arith.constant 4194304 : i32
    %add3A_125 = arith.addi %select_n3A_123, %add3A_124 : i32
    %ge3A_126 = vector.broadcast %add3A_125 : i32 to vector<128x128xi32>
    %ge3A_127 = arith.cmpi sge, %select_n3A, %ge3A_126 : vector<128x128xi32>
    %convert_element_type3A_128 = arith.extui %ge3A_127 : vector<128x128xi1> to vector<128x128xi32>
    %reduce_sum3A_129 = vector.shape_cast %convert_element_type3A_128 : vector<128x128xi32> to vector<1x128x128xi32>
    %reduce_sum3A_130 = arith.constant dense<0> : vector<1xi32>
    %reduce_sum3A_131 = vector.multi_reduction <add>, %reduce_sum3A_129, %reduce_sum3A_130 [1, 2] : vector<1x128x128xi32> to vector<1xi32>
    %reduce_sum3A_132 = vector.shape_cast %reduce_sum3A_131 : vector<1xi32> to vector<1x1x1xi32>
    %reduce_sum3A_133 = vector.extract %reduce_sum3A_132[0, 0, 0] : i32 from vector<1x1x1xi32>
    %ge3A_134 = arith.constant 5461 : i32
    %ge3A_135 = arith.cmpi sge, %reduce_sum3A_133, %ge3A_134 : i32
    %select_n3A_136 = arith.select %ge3A_135, %add3A_125, %select_n3A_123 : i32
    %add3A_137 = arith.constant 2097152 : i32
    %add3A_138 = arith.addi %select_n3A_136, %add3A_137 : i32
    %ge3A_139 = vector.broadcast %add3A_138 : i32 to vector<128x128xi32>
    %ge3A_140 = arith.cmpi sge, %select_n3A, %ge3A_139 : vector<128x128xi32>
    %convert_element_type3A_141 = arith.extui %ge3A_140 : vector<128x128xi1> to vector<128x128xi32>
    %reduce_sum3A_142 = vector.shape_cast %convert_element_type3A_141 : vector<128x128xi32> to vector<1x128x128xi32>
    %reduce_sum3A_143 = arith.constant dense<0> : vector<1xi32>
    %reduce_sum3A_144 = vector.multi_reduction <add>, %reduce_sum3A_142, %reduce_sum3A_143 [1, 2] : vector<1x128x128xi32> to vector<1xi32>
    %reduce_sum3A_145 = vector.shape_cast %reduce_sum3A_144 : vector<1xi32> to vector<1x1x1xi32>
    %reduce_sum3A_146 = vector.extract %reduce_sum3A_145[0, 0, 0] : i32 from vector<1x1x1xi32>
    %ge3A_147 = arith.constant 5461 : i32
    %ge3A_148 = arith.cmpi sge, %reduce_sum3A_146, %ge3A_147 : i32
    %select_n3A_149 = arith.select %ge3A_148, %add3A_138, %select_n3A_136 : i32
    %add3A_150 = arith.constant 1048576 : i32
    %add3A_151 = arith.addi %select_n3A_149, %add3A_150 : i32
    %ge3A_152 = vector.broadcast %add3A_151 : i32 to vector<128x128xi32>
    %ge3A_153 = arith.cmpi sge, %select_n3A, %ge3A_152 : vector<128x128xi32>
    %convert_element_type3A_154 = arith.extui %ge3A_153 : vector<128x128xi1> to vector<128x128xi32>
    %reduce_sum3A_155 = vector.shape_cast %convert_element_type3A_154 : vector<128x128xi32> to vector<1x128x128xi32>
    %reduce_sum3A_156 = arith.constant dense<0> : vector<1xi32>
    %reduce_sum3A_157 = vector.multi_reduction <add>, %reduce_sum3A_155, %reduce_sum3A_156 [1, 2] : vector<1x128x128xi32> to vector<1xi32>
    %reduce_sum3A_158 = vector.shape_cast %reduce_sum3A_157 : vector<1xi32> to vector<1x1x1xi32>
    %reduce_sum3A_159 = vector.extract %reduce_sum3A_158[0, 0, 0] : i32 from vector<1x1x1xi32>
    %ge3A_160 = arith.constant 5461 : i32
    %ge3A_161 = arith.cmpi sge, %reduce_sum3A_159, %ge3A_160 : i32
    %select_n3A_162 = arith.select %ge3A_161, %add3A_151, %select_n3A_149 : i32
    %add3A_163 = arith.constant 524288 : i32
    %add3A_164 = arith.addi %select_n3A_162, %add3A_163 : i32
    %ge3A_165 = vector.broadcast %add3A_164 : i32 to vector<128x128xi32>
    %ge3A_166 = arith.cmpi sge, %select_n3A, %ge3A_165 : vector<128x128xi32>
    %convert_element_type3A_167 = arith.extui %ge3A_166 : vector<128x128xi1> to vector<128x128xi32>
    %reduce_sum3A_168 = vector.shape_cast %convert_element_type3A_167 : vector<128x128xi32> to vector<1x128x128xi32>
    %reduce_sum3A_169 = arith.constant dense<0> : vector<1xi32>
    %reduce_sum3A_170 = vector.multi_reduction <add>, %reduce_sum3A_168, %reduce_sum3A_169 [1, 2] : vector<1x128x128xi32> to vector<1xi32>
    %reduce_sum3A_171 = vector.shape_cast %reduce_sum3A_170 : vector<1xi32> to vector<1x1x1xi32>
    %reduce_sum3A_172 = vector.extract %reduce_sum3A_171[0, 0, 0] : i32 from vector<1x1x1xi32>
    %ge3A_173 = arith.constant 5461 : i32
    %ge3A_174 = arith.cmpi sge, %reduce_sum3A_172, %ge3A_173 : i32
    %select_n3A_175 = arith.select %ge3A_174, %add3A_164, %select_n3A_162 : i32
    %add3A_176 = arith.constant 262144 : i32
    %add3A_177 = arith.addi %select_n3A_175, %add3A_176 : i32
    %ge3A_178 = vector.broadcast %add3A_177 : i32 to vector<128x128xi32>
    %ge3A_179 = arith.cmpi sge, %select_n3A, %ge3A_178 : vector<128x128xi32>
    %convert_element_type3A_180 = arith.extui %ge3A_179 : vector<128x128xi1> to vector<128x128xi32>
    %reduce_sum3A_181 = vector.shape_cast %convert_element_type3A_180 : vector<128x128xi32> to vector<1x128x128xi32>
    %reduce_sum3A_182 = arith.constant dense<0> : vector<1xi32>
    %reduce_sum3A_183 = vector.multi_reduction <add>, %reduce_sum3A_181, %reduce_sum3A_182 [1, 2] : vector<1x128x128xi32> to vector<1xi32>
    %reduce_sum3A_184 = vector.shape_cast %reduce_sum3A_183 : vector<1xi32> to vector<1x1x1xi32>
    %reduce_sum3A_185 = vector.extract %reduce_sum3A_184[0, 0, 0] : i32 from vector<1x1x1xi32>
    %ge3A_186 = arith.constant 5461 : i32
    %ge3A_187 = arith.cmpi sge, %reduce_sum3A_185, %ge3A_186 : i32
    %select_n3A_188 = arith.select %ge3A_187, %add3A_177, %select_n3A_175 : i32
    %add3A_189 = arith.constant 131072 : i32
    %add3A_190 = arith.addi %select_n3A_188, %add3A_189 : i32
    %ge3A_191 = vector.broadcast %add3A_190 : i32 to vector<128x128xi32>
    %ge3A_192 = arith.cmpi sge, %select_n3A, %ge3A_191 : vector<128x128xi32>
    %convert_element_type3A_193 = arith.extui %ge3A_192 : vector<128x128xi1> to vector<128x128xi32>
    %reduce_sum3A_194 = vector.shape_cast %convert_element_type3A_193 : vector<128x128xi32> to vector<1x128x128xi32>
    %reduce_sum3A_195 = arith.constant dense<0> : vector<1xi32>
    %reduce_sum3A_196 = vector.multi_reduction <add>, %reduce_sum3A_194, %reduce_sum3A_195 [1, 2] : vector<1x128x128xi32> to vector<1xi32>
    %reduce_sum3A_197 = vector.shape_cast %reduce_sum3A_196 : vector<1xi32> to vector<1x1x1xi32>
    %reduce_sum3A_198 = vector.extract %reduce_sum3A_197[0, 0, 0] : i32 from vector<1x1x1xi32>
    %ge3A_199 = arith.constant 5461 : i32
    %ge3A_200 = arith.cmpi sge, %reduce_sum3A_198, %ge3A_199 : i32
    %select_n3A_201 = arith.select %ge3A_200, %add3A_190, %select_n3A_188 : i32
    %add3A_202 = arith.constant 65536 : i32
    %add3A_203 = arith.addi %select_n3A_201, %add3A_202 : i32
    %ge3A_204 = vector.broadcast %add3A_203 : i32 to vector<128x128xi32>
    %ge3A_205 = arith.cmpi sge, %select_n3A, %ge3A_204 : vector<128x128xi32>
    %convert_element_type3A_206 = arith.extui %ge3A_205 : vector<128x128xi1> to vector<128x128xi32>
    %reduce_sum3A_207 = vector.shape_cast %convert_element_type3A_206 : vector<128x128xi32> to vector<1x128x128xi32>
    %reduce_sum3A_208 = arith.constant dense<0> : vector<1xi32>
    %reduce_sum3A_209 = vector.multi_reduction <add>, %reduce_sum3A_207, %reduce_sum3A_208 [1, 2] : vector<1x128x128xi32> to vector<1xi32>
    %reduce_sum3A_210 = vector.shape_cast %reduce_sum3A_209 : vector<1xi32> to vector<1x1x1xi32>
    %reduce_sum3A_211 = vector.extract %reduce_sum3A_210[0, 0, 0] : i32 from vector<1x1x1xi32>
    %ge3A_212 = arith.constant 5461 : i32
    %ge3A_213 = arith.cmpi sge, %reduce_sum3A_211, %ge3A_212 : i32
    %select_n3A_214 = arith.select %ge3A_213, %add3A_203, %select_n3A_201 : i32
    %add3A_215 = arith.constant 32768 : i32
    %add3A_216 = arith.addi %select_n3A_214, %add3A_215 : i32
    %ge3A_217 = vector.broadcast %add3A_216 : i32 to vector<128x128xi32>
    %ge3A_218 = arith.cmpi sge, %select_n3A, %ge3A_217 : vector<128x128xi32>
    %convert_element_type3A_219 = arith.extui %ge3A_218 : vector<128x128xi1> to vector<128x128xi32>
    %reduce_sum3A_220 = vector.shape_cast %convert_element_type3A_219 : vector<128x128xi32> to vector<1x128x128xi32>
    %reduce_sum3A_221 = arith.constant dense<0> : vector<1xi32>
    %reduce_sum3A_222 = vector.multi_reduction <add>, %reduce_sum3A_220, %reduce_sum3A_221 [1, 2] : vector<1x128x128xi32> to vector<1xi32>
    %reduce_sum3A_223 = vector.shape_cast %reduce_sum3A_222 : vector<1xi32> to vector<1x1x1xi32>
    %reduce_sum3A_224 = vector.extract %reduce_sum3A_223[0, 0, 0] : i32 from vector<1x1x1xi32>
    %ge3A_225 = arith.constant 5461 : i32
    %ge3A_226 = arith.cmpi sge, %reduce_sum3A_224, %ge3A_225 : i32
    %select_n3A_227 = arith.select %ge3A_226, %add3A_216, %select_n3A_214 : i32
    %add3A_228 = arith.constant 16384 : i32
    %add3A_229 = arith.addi %select_n3A_227, %add3A_228 : i32
    %ge3A_230 = vector.broadcast %add3A_229 : i32 to vector<128x128xi32>
    %ge3A_231 = arith.cmpi sge, %select_n3A, %ge3A_230 : vector<128x128xi32>
    %convert_element_type3A_232 = arith.extui %ge3A_231 : vector<128x128xi1> to vector<128x128xi32>
    %reduce_sum3A_233 = vector.shape_cast %convert_element_type3A_232 : vector<128x128xi32> to vector<1x128x128xi32>
    %reduce_sum3A_234 = arith.constant dense<0> : vector<1xi32>
    %reduce_sum3A_235 = vector.multi_reduction <add>, %reduce_sum3A_233, %reduce_sum3A_234 [1, 2] : vector<1x128x128xi32> to vector<1xi32>
    %reduce_sum3A_236 = vector.shape_cast %reduce_sum3A_235 : vector<1xi32> to vector<1x1x1xi32>
    %reduce_sum3A_237 = vector.extract %reduce_sum3A_236[0, 0, 0] : i32 from vector<1x1x1xi32>
    %ge3A_238 = arith.constant 5461 : i32
    %ge3A_239 = arith.cmpi sge, %reduce_sum3A_237, %ge3A_238 : i32
    %select_n3A_240 = arith.select %ge3A_239, %add3A_229, %select_n3A_227 : i32
    %add3A_241 = arith.constant 8192 : i32
    %add3A_242 = arith.addi %select_n3A_240, %add3A_241 : i32
    %ge3A_243 = vector.broadcast %add3A_242 : i32 to vector<128x128xi32>
    %ge3A_244 = arith.cmpi sge, %select_n3A, %ge3A_243 : vector<128x128xi32>
    %convert_element_type3A_245 = arith.extui %ge3A_244 : vector<128x128xi1> to vector<128x128xi32>
    %reduce_sum3A_246 = vector.shape_cast %convert_element_type3A_245 : vector<128x128xi32> to vector<1x128x128xi32>
    %reduce_sum3A_247 = arith.constant dense<0> : vector<1xi32>
    %reduce_sum3A_248 = vector.multi_reduction <add>, %reduce_sum3A_246, %reduce_sum3A_247 [1, 2] : vector<1x128x128xi32> to vector<1xi32>
    %reduce_sum3A_249 = vector.shape_cast %reduce_sum3A_248 : vector<1xi32> to vector<1x1x1xi32>
    %reduce_sum3A_250 = vector.extract %reduce_sum3A_249[0, 0, 0] : i32 from vector<1x1x1xi32>
    %ge3A_251 = arith.constant 5461 : i32
    %ge3A_252 = arith.cmpi sge, %reduce_sum3A_250, %ge3A_251 : i32
    %select_n3A_253 = arith.select %ge3A_252, %add3A_242, %select_n3A_240 : i32
    %add3A_254 = arith.constant 4096 : i32
    %add3A_255 = arith.addi %select_n3A_253, %add3A_254 : i32
    %ge3A_256 = vector.broadcast %add3A_255 : i32 to vector<128x128xi32>
    %ge3A_257 = arith.cmpi sge, %select_n3A, %ge3A_256 : vector<128x128xi32>
    %convert_element_type3A_258 = arith.extui %ge3A_257 : vector<128x128xi1> to vector<128x128xi32>
    %reduce_sum3A_259 = vector.shape_cast %convert_element_type3A_258 : vector<128x128xi32> to vector<1x128x128xi32>
    %reduce_sum3A_260 = arith.constant dense<0> : vector<1xi32>
    %reduce_sum3A_261 = vector.multi_reduction <add>, %reduce_sum3A_259, %reduce_sum3A_260 [1, 2] : vector<1x128x128xi32> to vector<1xi32>
    %reduce_sum3A_262 = vector.shape_cast %reduce_sum3A_261 : vector<1xi32> to vector<1x1x1xi32>
    %reduce_sum3A_263 = vector.extract %reduce_sum3A_262[0, 0, 0] : i32 from vector<1x1x1xi32>
    %ge3A_264 = arith.constant 5461 : i32
    %ge3A_265 = arith.cmpi sge, %reduce_sum3A_263, %ge3A_264 : i32
    %select_n3A_266 = arith.select %ge3A_265, %add3A_255, %select_n3A_253 : i32
    %add3A_267 = arith.constant 2048 : i32
    %add3A_268 = arith.addi %select_n3A_266, %add3A_267 : i32
    %ge3A_269 = vector.broadcast %add3A_268 : i32 to vector<128x128xi32>
    %ge3A_270 = arith.cmpi sge, %select_n3A, %ge3A_269 : vector<128x128xi32>
    %convert_element_type3A_271 = arith.extui %ge3A_270 : vector<128x128xi1> to vector<128x128xi32>
    %reduce_sum3A_272 = vector.shape_cast %convert_element_type3A_271 : vector<128x128xi32> to vector<1x128x128xi32>
    %reduce_sum3A_273 = arith.constant dense<0> : vector<1xi32>
    %reduce_sum3A_274 = vector.multi_reduction <add>, %reduce_sum3A_272, %reduce_sum3A_273 [1, 2] : vector<1x128x128xi32> to vector<1xi32>
    %reduce_sum3A_275 = vector.shape_cast %reduce_sum3A_274 : vector<1xi32> to vector<1x1x1xi32>
    %reduce_sum3A_276 = vector.extract %reduce_sum3A_275[0, 0, 0] : i32 from vector<1x1x1xi32>
    %ge3A_277 = arith.constant 5461 : i32
    %ge3A_278 = arith.cmpi sge, %reduce_sum3A_276, %ge3A_277 : i32
    %select_n3A_279 = arith.select %ge3A_278, %add3A_268, %select_n3A_266 : i32
    %add3A_280 = arith.constant 1024 : i32
    %add3A_281 = arith.addi %select_n3A_279, %add3A_280 : i32
    %ge3A_282 = vector.broadcast %add3A_281 : i32 to vector<128x128xi32>
    %ge3A_283 = arith.cmpi sge, %select_n3A, %ge3A_282 : vector<128x128xi32>
    %convert_element_type3A_284 = arith.extui %ge3A_283 : vector<128x128xi1> to vector<128x128xi32>
    %reduce_sum3A_285 = vector.shape_cast %convert_element_type3A_284 : vector<128x128xi32> to vector<1x128x128xi32>
    %reduce_sum3A_286 = arith.constant dense<0> : vector<1xi32>
    %reduce_sum3A_287 = vector.multi_reduction <add>, %reduce_sum3A_285, %reduce_sum3A_286 [1, 2] : vector<1x128x128xi32> to vector<1xi32>
    %reduce_sum3A_288 = vector.shape_cast %reduce_sum3A_287 : vector<1xi32> to vector<1x1x1xi32>
    %reduce_sum3A_289 = vector.extract %reduce_sum3A_288[0, 0, 0] : i32 from vector<1x1x1xi32>
    %ge3A_290 = arith.constant 5461 : i32
    %ge3A_291 = arith.cmpi sge, %reduce_sum3A_289, %ge3A_290 : i32
    %select_n3A_292 = arith.select %ge3A_291, %add3A_281, %select_n3A_279 : i32
    %add3A_293 = arith.constant 512 : i32
    %add3A_294 = arith.addi %select_n3A_292, %add3A_293 : i32
    %ge3A_295 = vector.broadcast %add3A_294 : i32 to vector<128x128xi32>
    %ge3A_296 = arith.cmpi sge, %select_n3A, %ge3A_295 : vector<128x128xi32>
    %convert_element_type3A_297 = arith.extui %ge3A_296 : vector<128x128xi1> to vector<128x128xi32>
    %reduce_sum3A_298 = vector.shape_cast %convert_element_type3A_297 : vector<128x128xi32> to vector<1x128x128xi32>
    %reduce_sum3A_299 = arith.constant dense<0> : vector<1xi32>
    %reduce_sum3A_300 = vector.multi_reduction <add>, %reduce_sum3A_298, %reduce_sum3A_299 [1, 2] : vector<1x128x128xi32> to vector<1xi32>
    %reduce_sum3A_301 = vector.shape_cast %reduce_sum3A_300 : vector<1xi32> to vector<1x1x1xi32>
    %reduce_sum3A_302 = vector.extract %reduce_sum3A_301[0, 0, 0] : i32 from vector<1x1x1xi32>
    %ge3A_303 = arith.constant 5461 : i32
    %ge3A_304 = arith.cmpi sge, %reduce_sum3A_302, %ge3A_303 : i32
    %select_n3A_305 = arith.select %ge3A_304, %add3A_294, %select_n3A_292 : i32
    %add3A_306 = arith.constant 256 : i32
    %add3A_307 = arith.addi %select_n3A_305, %add3A_306 : i32
    %ge3A_308 = vector.broadcast %add3A_307 : i32 to vector<128x128xi32>
    %ge3A_309 = arith.cmpi sge, %select_n3A, %ge3A_308 : vector<128x128xi32>
    %convert_element_type3A_310 = arith.extui %ge3A_309 : vector<128x128xi1> to vector<128x128xi32>
    %reduce_sum3A_311 = vector.shape_cast %convert_element_type3A_310 : vector<128x128xi32> to vector<1x128x128xi32>
    %reduce_sum3A_312 = arith.constant dense<0> : vector<1xi32>
    %reduce_sum3A_313 = vector.multi_reduction <add>, %reduce_sum3A_311, %reduce_sum3A_312 [1, 2] : vector<1x128x128xi32> to vector<1xi32>
    %reduce_sum3A_314 = vector.shape_cast %reduce_sum3A_313 : vector<1xi32> to vector<1x1x1xi32>
    %reduce_sum3A_315 = vector.extract %reduce_sum3A_314[0, 0, 0] : i32 from vector<1x1x1xi32>
    %ge3A_316 = arith.constant 5461 : i32
    %ge3A_317 = arith.cmpi sge, %reduce_sum3A_315, %ge3A_316 : i32
    %select_n3A_318 = arith.select %ge3A_317, %add3A_307, %select_n3A_305 : i32
    %add3A_319 = arith.constant 128 : i32
    %add3A_320 = arith.addi %select_n3A_318, %add3A_319 : i32
    %ge3A_321 = vector.broadcast %add3A_320 : i32 to vector<128x128xi32>
    %ge3A_322 = arith.cmpi sge, %select_n3A, %ge3A_321 : vector<128x128xi32>
    %convert_element_type3A_323 = arith.extui %ge3A_322 : vector<128x128xi1> to vector<128x128xi32>
    %reduce_sum3A_324 = vector.shape_cast %convert_element_type3A_323 : vector<128x128xi32> to vector<1x128x128xi32>
    %reduce_sum3A_325 = arith.constant dense<0> : vector<1xi32>
    %reduce_sum3A_326 = vector.multi_reduction <add>, %reduce_sum3A_324, %reduce_sum3A_325 [1, 2] : vector<1x128x128xi32> to vector<1xi32>
    %reduce_sum3A_327 = vector.shape_cast %reduce_sum3A_326 : vector<1xi32> to vector<1x1x1xi32>
    %reduce_sum3A_328 = vector.extract %reduce_sum3A_327[0, 0, 0] : i32 from vector<1x1x1xi32>
    %ge3A_329 = arith.constant 5461 : i32
    %ge3A_330 = arith.cmpi sge, %reduce_sum3A_328, %ge3A_329 : i32
    %select_n3A_331 = arith.select %ge3A_330, %add3A_320, %select_n3A_318 : i32
    %add3A_332 = arith.constant 64 : i32
    %add3A_333 = arith.addi %select_n3A_331, %add3A_332 : i32
    %ge3A_334 = vector.broadcast %add3A_333 : i32 to vector<128x128xi32>
    %ge3A_335 = arith.cmpi sge, %select_n3A, %ge3A_334 : vector<128x128xi32>
    %convert_element_type3A_336 = arith.extui %ge3A_335 : vector<128x128xi1> to vector<128x128xi32>
    %reduce_sum3A_337 = vector.shape_cast %convert_element_type3A_336 : vector<128x128xi32> to vector<1x128x128xi32>
    %reduce_sum3A_338 = arith.constant dense<0> : vector<1xi32>
    %reduce_sum3A_339 = vector.multi_reduction <add>, %reduce_sum3A_337, %reduce_sum3A_338 [1, 2] : vector<1x128x128xi32> to vector<1xi32>
    %reduce_sum3A_340 = vector.shape_cast %reduce_sum3A_339 : vector<1xi32> to vector<1x1x1xi32>
    %reduce_sum3A_341 = vector.extract %reduce_sum3A_340[0, 0, 0] : i32 from vector<1x1x1xi32>
    %ge3A_342 = arith.constant 5461 : i32
    %ge3A_343 = arith.cmpi sge, %reduce_sum3A_341, %ge3A_342 : i32
    %select_n3A_344 = arith.select %ge3A_343, %add3A_333, %select_n3A_331 : i32
    %add3A_345 = arith.constant 32 : i32
    %add3A_346 = arith.addi %select_n3A_344, %add3A_345 : i32
    %ge3A_347 = vector.broadcast %add3A_346 : i32 to vector<128x128xi32>
    %ge3A_348 = arith.cmpi sge, %select_n3A, %ge3A_347 : vector<128x128xi32>
    %convert_element_type3A_349 = arith.extui %ge3A_348 : vector<128x128xi1> to vector<128x128xi32>
    %reduce_sum3A_350 = vector.shape_cast %convert_element_type3A_349 : vector<128x128xi32> to vector<1x128x128xi32>
    %reduce_sum3A_351 = arith.constant dense<0> : vector<1xi32>
    %reduce_sum3A_352 = vector.multi_reduction <add>, %reduce_sum3A_350, %reduce_sum3A_351 [1, 2] : vector<1x128x128xi32> to vector<1xi32>
    %reduce_sum3A_353 = vector.shape_cast %reduce_sum3A_352 : vector<1xi32> to vector<1x1x1xi32>
    %reduce_sum3A_354 = vector.extract %reduce_sum3A_353[0, 0, 0] : i32 from vector<1x1x1xi32>
    %ge3A_355 = arith.constant 5461 : i32
    %ge3A_356 = arith.cmpi sge, %reduce_sum3A_354, %ge3A_355 : i32
    %select_n3A_357 = arith.select %ge3A_356, %add3A_346, %select_n3A_344 : i32
    %add3A_358 = arith.constant 16 : i32
    %add3A_359 = arith.addi %select_n3A_357, %add3A_358 : i32
    %ge3A_360 = vector.broadcast %add3A_359 : i32 to vector<128x128xi32>
    %ge3A_361 = arith.cmpi sge, %select_n3A, %ge3A_360 : vector<128x128xi32>
    %convert_element_type3A_362 = arith.extui %ge3A_361 : vector<128x128xi1> to vector<128x128xi32>
    %reduce_sum3A_363 = vector.shape_cast %convert_element_type3A_362 : vector<128x128xi32> to vector<1x128x128xi32>
    %reduce_sum3A_364 = arith.constant dense<0> : vector<1xi32>
    %reduce_sum3A_365 = vector.multi_reduction <add>, %reduce_sum3A_363, %reduce_sum3A_364 [1, 2] : vector<1x128x128xi32> to vector<1xi32>
    %reduce_sum3A_366 = vector.shape_cast %reduce_sum3A_365 : vector<1xi32> to vector<1x1x1xi32>
    %reduce_sum3A_367 = vector.extract %reduce_sum3A_366[0, 0, 0] : i32 from vector<1x1x1xi32>
    %ge3A_368 = arith.constant 5461 : i32
    %ge3A_369 = arith.cmpi sge, %reduce_sum3A_367, %ge3A_368 : i32
    %select_n3A_370 = arith.select %ge3A_369, %add3A_359, %select_n3A_357 : i32
    %add3A_371 = arith.constant 8 : i32
    %add3A_372 = arith.addi %select_n3A_370, %add3A_371 : i32
    %ge3A_373 = vector.broadcast %add3A_372 : i32 to vector<128x128xi32>
    %ge3A_374 = arith.cmpi sge, %select_n3A, %ge3A_373 : vector<128x128xi32>
    %convert_element_type3A_375 = arith.extui %ge3A_374 : vector<128x128xi1> to vector<128x128xi32>
    %reduce_sum3A_376 = vector.shape_cast %convert_element_type3A_375 : vector<128x128xi32> to vector<1x128x128xi32>
    %reduce_sum3A_377 = arith.constant dense<0> : vector<1xi32>
    %reduce_sum3A_378 = vector.multi_reduction <add>, %reduce_sum3A_376, %reduce_sum3A_377 [1, 2] : vector<1x128x128xi32> to vector<1xi32>
    %reduce_sum3A_379 = vector.shape_cast %reduce_sum3A_378 : vector<1xi32> to vector<1x1x1xi32>
    %reduce_sum3A_380 = vector.extract %reduce_sum3A_379[0, 0, 0] : i32 from vector<1x1x1xi32>
    %ge3A_381 = arith.constant 5461 : i32
    %ge3A_382 = arith.cmpi sge, %reduce_sum3A_380, %ge3A_381 : i32
    %select_n3A_383 = arith.select %ge3A_382, %add3A_372, %select_n3A_370 : i32
    %add3A_384 = arith.constant 4 : i32
    %add3A_385 = arith.addi %select_n3A_383, %add3A_384 : i32
    %ge3A_386 = vector.broadcast %add3A_385 : i32 to vector<128x128xi32>
    %ge3A_387 = arith.cmpi sge, %select_n3A, %ge3A_386 : vector<128x128xi32>
    %convert_element_type3A_388 = arith.extui %ge3A_387 : vector<128x128xi1> to vector<128x128xi32>
    %reduce_sum3A_389 = vector.shape_cast %convert_element_type3A_388 : vector<128x128xi32> to vector<1x128x128xi32>
    %reduce_sum3A_390 = arith.constant dense<0> : vector<1xi32>
    %reduce_sum3A_391 = vector.multi_reduction <add>, %reduce_sum3A_389, %reduce_sum3A_390 [1, 2] : vector<1x128x128xi32> to vector<1xi32>
    %reduce_sum3A_392 = vector.shape_cast %reduce_sum3A_391 : vector<1xi32> to vector<1x1x1xi32>
    %reduce_sum3A_393 = vector.extract %reduce_sum3A_392[0, 0, 0] : i32 from vector<1x1x1xi32>
    %ge3A_394 = arith.constant 5461 : i32
    %ge3A_395 = arith.cmpi sge, %reduce_sum3A_393, %ge3A_394 : i32
    %select_n3A_396 = arith.select %ge3A_395, %add3A_385, %select_n3A_383 : i32
    %add3A_397 = arith.constant 2 : i32
    %add3A_398 = arith.addi %select_n3A_396, %add3A_397 : i32
    %ge3A_399 = vector.broadcast %add3A_398 : i32 to vector<128x128xi32>
    %ge3A_400 = arith.cmpi sge, %select_n3A, %ge3A_399 : vector<128x128xi32>
    %convert_element_type3A_401 = arith.extui %ge3A_400 : vector<128x128xi1> to vector<128x128xi32>
    %reduce_sum3A_402 = vector.shape_cast %convert_element_type3A_401 : vector<128x128xi32> to vector<1x128x128xi32>
    %reduce_sum3A_403 = arith.constant dense<0> : vector<1xi32>
    %reduce_sum3A_404 = vector.multi_reduction <add>, %reduce_sum3A_402, %reduce_sum3A_403 [1, 2] : vector<1x128x128xi32> to vector<1xi32>
    %reduce_sum3A_405 = vector.shape_cast %reduce_sum3A_404 : vector<1xi32> to vector<1x1x1xi32>
    %reduce_sum3A_406 = vector.extract %reduce_sum3A_405[0, 0, 0] : i32 from vector<1x1x1xi32>
    %ge3A_407 = arith.constant 5461 : i32
    %ge3A_408 = arith.cmpi sge, %reduce_sum3A_406, %ge3A_407 : i32
    %select_n3A_409 = arith.select %ge3A_408, %add3A_398, %select_n3A_396 : i32
    %add3A_410 = arith.constant 1 : i32
    %add3A_411 = arith.addi %select_n3A_409, %add3A_410 : i32
    %ge3A_412 = vector.broadcast %add3A_411 : i32 to vector<128x128xi32>
    %ge3A_413 = arith.cmpi sge, %select_n3A, %ge3A_412 : vector<128x128xi32>
    %convert_element_type3A_414 = arith.extui %ge3A_413 : vector<128x128xi1> to vector<128x128xi32>
    %reduce_sum3A_415 = vector.shape_cast %convert_element_type3A_414 : vector<128x128xi32> to vector<1x128x128xi32>
    %reduce_sum3A_416 = arith.constant dense<0> : vector<1xi32>
    %reduce_sum3A_417 = vector.multi_reduction <add>, %reduce_sum3A_415, %reduce_sum3A_416 [1, 2] : vector<1x128x128xi32> to vector<1xi32>
    %reduce_sum3A_418 = vector.shape_cast %reduce_sum3A_417 : vector<1xi32> to vector<1x1x1xi32>
    %reduce_sum3A_419 = vector.extract %reduce_sum3A_418[0, 0, 0] : i32 from vector<1x1x1xi32>
    %ge3A_420 = arith.constant 5461 : i32
    %ge3A_421 = arith.cmpi sge, %reduce_sum3A_419, %ge3A_420 : i32
    %select_n3A_422 = arith.select %ge3A_421, %add3A_411, %select_n3A_409 : i32
    %eq3A = vector.broadcast %select_n3A_422 : i32 to vector<128x128xi32>
    %eq3A_423 = arith.cmpi eq, %select_n3A, %eq3A : vector<128x128xi32>
    %gt3A = vector.broadcast %select_n3A_422 : i32 to vector<128x128xi32>
    %gt3A_424 = arith.cmpi sgt, %select_n3A, %gt3A : vector<128x128xi32>
    %convert_element_type3A_425 = arith.extui %gt3A_424 : vector<128x128xi1> to vector<128x128xi32>
    %reduce_sum3A_426 = vector.shape_cast %convert_element_type3A_425 : vector<128x128xi32> to vector<1x128x128xi32>
    %reduce_sum3A_427 = arith.constant dense<0> : vector<1xi32>
    %reduce_sum3A_428 = vector.multi_reduction <add>, %reduce_sum3A_426, %reduce_sum3A_427 [1, 2] : vector<1x128x128xi32> to vector<1xi32>
    %reduce_sum3A_429 = vector.shape_cast %reduce_sum3A_428 : vector<1xi32> to vector<1x1x1xi32>
    %reduce_sum3A_430 = vector.extract %reduce_sum3A_429[0, 0, 0] : i32 from vector<1x1x1xi32>
    %sub3A = arith.constant 5461 : i32
    %sub3A_431 = arith.subi %sub3A, %reduce_sum3A_430 : i32
    %add3A_432 = arith.constant 0 : i32
    %add3A_433 = arith.constant 16384 : i32
    %add3A_434 = arith.addi %add3A_432, %add3A_433 : i32
    %lt3A = vector.broadcast %add3A_434 : i32 to vector<128x128xi32>
    %lt3A_435 = arith.cmpi slt, %add3A, %lt3A : vector<128x128xi32>
    %and3A = arith.andi %eq3A_423, %lt3A_435 : vector<128x128xi1>
    %convert_element_type3A_436 = arith.extui %and3A : vector<128x128xi1> to vector<128x128xi32>
    %reduce_sum3A_437 = vector.shape_cast %convert_element_type3A_436 : vector<128x128xi32> to vector<1x128x128xi32>
    %reduce_sum3A_438 = arith.constant dense<0> : vector<1xi32>
    %reduce_sum3A_439 = vector.multi_reduction <add>, %reduce_sum3A_437, %reduce_sum3A_438 [1, 2] : vector<1x128x128xi32> to vector<1xi32>
    %reduce_sum3A_440 = vector.shape_cast %reduce_sum3A_439 : vector<1xi32> to vector<1x1x1xi32>
    %reduce_sum3A_441 = vector.extract %reduce_sum3A_440[0, 0, 0] : i32 from vector<1x1x1xi32>
    %lt3A_442 = arith.cmpi slt, %reduce_sum3A_441, %sub3A_431 : i32
    %jit3A_443 = arith.constant 0 : i32
    %select_n3A_444 = arith.select %lt3A_442, %add3A_434, %jit3A_443 : i32
    %add3A_445 = arith.constant 8192 : i32
    %add3A_446 = arith.addi %select_n3A_444, %add3A_445 : i32
    %lt3A_447 = vector.broadcast %add3A_446 : i32 to vector<128x128xi32>
    %lt3A_448 = arith.cmpi slt, %add3A, %lt3A_447 : vector<128x128xi32>
    %and3A_449 = arith.andi %eq3A_423, %lt3A_448 : vector<128x128xi1>
    %convert_element_type3A_450 = arith.extui %and3A_449 : vector<128x128xi1> to vector<128x128xi32>
    %reduce_sum3A_451 = vector.shape_cast %convert_element_type3A_450 : vector<128x128xi32> to vector<1x128x128xi32>
    %reduce_sum3A_452 = arith.constant dense<0> : vector<1xi32>
    %reduce_sum3A_453 = vector.multi_reduction <add>, %reduce_sum3A_451, %reduce_sum3A_452 [1, 2] : vector<1x128x128xi32> to vector<1xi32>
    %reduce_sum3A_454 = vector.shape_cast %reduce_sum3A_453 : vector<1xi32> to vector<1x1x1xi32>
    %reduce_sum3A_455 = vector.extract %reduce_sum3A_454[0, 0, 0] : i32 from vector<1x1x1xi32>
    %lt3A_456 = arith.cmpi slt, %reduce_sum3A_455, %sub3A_431 : i32
    %select_n3A_457 = arith.select %lt3A_456, %add3A_446, %select_n3A_444 : i32
    %add3A_458 = arith.constant 4096 : i32
    %add3A_459 = arith.addi %select_n3A_457, %add3A_458 : i32
    %lt3A_460 = vector.broadcast %add3A_459 : i32 to vector<128x128xi32>
    %lt3A_461 = arith.cmpi slt, %add3A, %lt3A_460 : vector<128x128xi32>
    %and3A_462 = arith.andi %eq3A_423, %lt3A_461 : vector<128x128xi1>
    %convert_element_type3A_463 = arith.extui %and3A_462 : vector<128x128xi1> to vector<128x128xi32>
    %reduce_sum3A_464 = vector.shape_cast %convert_element_type3A_463 : vector<128x128xi32> to vector<1x128x128xi32>
    %reduce_sum3A_465 = arith.constant dense<0> : vector<1xi32>
    %reduce_sum3A_466 = vector.multi_reduction <add>, %reduce_sum3A_464, %reduce_sum3A_465 [1, 2] : vector<1x128x128xi32> to vector<1xi32>
    %reduce_sum3A_467 = vector.shape_cast %reduce_sum3A_466 : vector<1xi32> to vector<1x1x1xi32>
    %reduce_sum3A_468 = vector.extract %reduce_sum3A_467[0, 0, 0] : i32 from vector<1x1x1xi32>
    %lt3A_469 = arith.cmpi slt, %reduce_sum3A_468, %sub3A_431 : i32
    %select_n3A_470 = arith.select %lt3A_469, %add3A_459, %select_n3A_457 : i32
    %add3A_471 = arith.constant 2048 : i32
    %add3A_472 = arith.addi %select_n3A_470, %add3A_471 : i32
    %lt3A_473 = vector.broadcast %add3A_472 : i32 to vector<128x128xi32>
    %lt3A_474 = arith.cmpi slt, %add3A, %lt3A_473 : vector<128x128xi32>
    %and3A_475 = arith.andi %eq3A_423, %lt3A_474 : vector<128x128xi1>
    %convert_element_type3A_476 = arith.extui %and3A_475 : vector<128x128xi1> to vector<128x128xi32>
    %reduce_sum3A_477 = vector.shape_cast %convert_element_type3A_476 : vector<128x128xi32> to vector<1x128x128xi32>
    %reduce_sum3A_478 = arith.constant dense<0> : vector<1xi32>
    %reduce_sum3A_479 = vector.multi_reduction <add>, %reduce_sum3A_477, %reduce_sum3A_478 [1, 2] : vector<1x128x128xi32> to vector<1xi32>
    %reduce_sum3A_480 = vector.shape_cast %reduce_sum3A_479 : vector<1xi32> to vector<1x1x1xi32>
    %reduce_sum3A_481 = vector.extract %reduce_sum3A_480[0, 0, 0] : i32 from vector<1x1x1xi32>
    %lt3A_482 = arith.cmpi slt, %reduce_sum3A_481, %sub3A_431 : i32
    %select_n3A_483 = arith.select %lt3A_482, %add3A_472, %select_n3A_470 : i32
    %add3A_484 = arith.constant 1024 : i32
    %add3A_485 = arith.addi %select_n3A_483, %add3A_484 : i32
    %lt3A_486 = vector.broadcast %add3A_485 : i32 to vector<128x128xi32>
    %lt3A_487 = arith.cmpi slt, %add3A, %lt3A_486 : vector<128x128xi32>
    %and3A_488 = arith.andi %eq3A_423, %lt3A_487 : vector<128x128xi1>
    %convert_element_type3A_489 = arith.extui %and3A_488 : vector<128x128xi1> to vector<128x128xi32>
    %reduce_sum3A_490 = vector.shape_cast %convert_element_type3A_489 : vector<128x128xi32> to vector<1x128x128xi32>
    %reduce_sum3A_491 = arith.constant dense<0> : vector<1xi32>
    %reduce_sum3A_492 = vector.multi_reduction <add>, %reduce_sum3A_490, %reduce_sum3A_491 [1, 2] : vector<1x128x128xi32> to vector<1xi32>
    %reduce_sum3A_493 = vector.shape_cast %reduce_sum3A_492 : vector<1xi32> to vector<1x1x1xi32>
    %reduce_sum3A_494 = vector.extract %reduce_sum3A_493[0, 0, 0] : i32 from vector<1x1x1xi32>
    %lt3A_495 = arith.cmpi slt, %reduce_sum3A_494, %sub3A_431 : i32
    %select_n3A_496 = arith.select %lt3A_495, %add3A_485, %select_n3A_483 : i32
    %add3A_497 = arith.constant 512 : i32
    %add3A_498 = arith.addi %select_n3A_496, %add3A_497 : i32
    %lt3A_499 = vector.broadcast %add3A_498 : i32 to vector<128x128xi32>
    %lt3A_500 = arith.cmpi slt, %add3A, %lt3A_499 : vector<128x128xi32>
    %and3A_501 = arith.andi %eq3A_423, %lt3A_500 : vector<128x128xi1>
    %convert_element_type3A_502 = arith.extui %and3A_501 : vector<128x128xi1> to vector<128x128xi32>
    %reduce_sum3A_503 = vector.shape_cast %convert_element_type3A_502 : vector<128x128xi32> to vector<1x128x128xi32>
    %reduce_sum3A_504 = arith.constant dense<0> : vector<1xi32>
    %reduce_sum3A_505 = vector.multi_reduction <add>, %reduce_sum3A_503, %reduce_sum3A_504 [1, 2] : vector<1x128x128xi32> to vector<1xi32>
    %reduce_sum3A_506 = vector.shape_cast %reduce_sum3A_505 : vector<1xi32> to vector<1x1x1xi32>
    %reduce_sum3A_507 = vector.extract %reduce_sum3A_506[0, 0, 0] : i32 from vector<1x1x1xi32>
    %lt3A_508 = arith.cmpi slt, %reduce_sum3A_507, %sub3A_431 : i32
    %select_n3A_509 = arith.select %lt3A_508, %add3A_498, %select_n3A_496 : i32
    %add3A_510 = arith.constant 256 : i32
    %add3A_511 = arith.addi %select_n3A_509, %add3A_510 : i32
    %lt3A_512 = vector.broadcast %add3A_511 : i32 to vector<128x128xi32>
    %lt3A_513 = arith.cmpi slt, %add3A, %lt3A_512 : vector<128x128xi32>
    %and3A_514 = arith.andi %eq3A_423, %lt3A_513 : vector<128x128xi1>
    %convert_element_type3A_515 = arith.extui %and3A_514 : vector<128x128xi1> to vector<128x128xi32>
    %reduce_sum3A_516 = vector.shape_cast %convert_element_type3A_515 : vector<128x128xi32> to vector<1x128x128xi32>
    %reduce_sum3A_517 = arith.constant dense<0> : vector<1xi32>
    %reduce_sum3A_518 = vector.multi_reduction <add>, %reduce_sum3A_516, %reduce_sum3A_517 [1, 2] : vector<1x128x128xi32> to vector<1xi32>
    %reduce_sum3A_519 = vector.shape_cast %reduce_sum3A_518 : vector<1xi32> to vector<1x1x1xi32>
    %reduce_sum3A_520 = vector.extract %reduce_sum3A_519[0, 0, 0] : i32 from vector<1x1x1xi32>
    %lt3A_521 = arith.cmpi slt, %reduce_sum3A_520, %sub3A_431 : i32
    %select_n3A_522 = arith.select %lt3A_521, %add3A_511, %select_n3A_509 : i32
    %add3A_523 = arith.constant 128 : i32
    %add3A_524 = arith.addi %select_n3A_522, %add3A_523 : i32
    %lt3A_525 = vector.broadcast %add3A_524 : i32 to vector<128x128xi32>
    %lt3A_526 = arith.cmpi slt, %add3A, %lt3A_525 : vector<128x128xi32>
    %and3A_527 = arith.andi %eq3A_423, %lt3A_526 : vector<128x128xi1>
    %convert_element_type3A_528 = arith.extui %and3A_527 : vector<128x128xi1> to vector<128x128xi32>
    %reduce_sum3A_529 = vector.shape_cast %convert_element_type3A_528 : vector<128x128xi32> to vector<1x128x128xi32>
    %reduce_sum3A_530 = arith.constant dense<0> : vector<1xi32>
    %reduce_sum3A_531 = vector.multi_reduction <add>, %reduce_sum3A_529, %reduce_sum3A_530 [1, 2] : vector<1x128x128xi32> to vector<1xi32>
    %reduce_sum3A_532 = vector.shape_cast %reduce_sum3A_531 : vector<1xi32> to vector<1x1x1xi32>
    %reduce_sum3A_533 = vector.extract %reduce_sum3A_532[0, 0, 0] : i32 from vector<1x1x1xi32>
    %lt3A_534 = arith.cmpi slt, %reduce_sum3A_533, %sub3A_431 : i32
    %select_n3A_535 = arith.select %lt3A_534, %add3A_524, %select_n3A_522 : i32
    %add3A_536 = arith.constant 64 : i32
    %add3A_537 = arith.addi %select_n3A_535, %add3A_536 : i32
    %lt3A_538 = vector.broadcast %add3A_537 : i32 to vector<128x128xi32>
    %lt3A_539 = arith.cmpi slt, %add3A, %lt3A_538 : vector<128x128xi32>
    %and3A_540 = arith.andi %eq3A_423, %lt3A_539 : vector<128x128xi1>
    %convert_element_type3A_541 = arith.extui %and3A_540 : vector<128x128xi1> to vector<128x128xi32>
    %reduce_sum3A_542 = vector.shape_cast %convert_element_type3A_541 : vector<128x128xi32> to vector<1x128x128xi32>
    %reduce_sum3A_543 = arith.constant dense<0> : vector<1xi32>
    %reduce_sum3A_544 = vector.multi_reduction <add>, %reduce_sum3A_542, %reduce_sum3A_543 [1, 2] : vector<1x128x128xi32> to vector<1xi32>
    %reduce_sum3A_545 = vector.shape_cast %reduce_sum3A_544 : vector<1xi32> to vector<1x1x1xi32>
    %reduce_sum3A_546 = vector.extract %reduce_sum3A_545[0, 0, 0] : i32 from vector<1x1x1xi32>
    %lt3A_547 = arith.cmpi slt, %reduce_sum3A_546, %sub3A_431 : i32
    %select_n3A_548 = arith.select %lt3A_547, %add3A_537, %select_n3A_535 : i32
    %add3A_549 = arith.constant 32 : i32
    %add3A_550 = arith.addi %select_n3A_548, %add3A_549 : i32
    %lt3A_551 = vector.broadcast %add3A_550 : i32 to vector<128x128xi32>
    %lt3A_552 = arith.cmpi slt, %add3A, %lt3A_551 : vector<128x128xi32>
    %and3A_553 = arith.andi %eq3A_423, %lt3A_552 : vector<128x128xi1>
    %convert_element_type3A_554 = arith.extui %and3A_553 : vector<128x128xi1> to vector<128x128xi32>
    %reduce_sum3A_555 = vector.shape_cast %convert_element_type3A_554 : vector<128x128xi32> to vector<1x128x128xi32>
    %reduce_sum3A_556 = arith.constant dense<0> : vector<1xi32>
    %reduce_sum3A_557 = vector.multi_reduction <add>, %reduce_sum3A_555, %reduce_sum3A_556 [1, 2] : vector<1x128x128xi32> to vector<1xi32>
    %reduce_sum3A_558 = vector.shape_cast %reduce_sum3A_557 : vector<1xi32> to vector<1x1x1xi32>
    %reduce_sum3A_559 = vector.extract %reduce_sum3A_558[0, 0, 0] : i32 from vector<1x1x1xi32>
    %lt3A_560 = arith.cmpi slt, %reduce_sum3A_559, %sub3A_431 : i32
    %select_n3A_561 = arith.select %lt3A_560, %add3A_550, %select_n3A_548 : i32
    %add3A_562 = arith.constant 16 : i32
    %add3A_563 = arith.addi %select_n3A_561, %add3A_562 : i32
    %lt3A_564 = vector.broadcast %add3A_563 : i32 to vector<128x128xi32>
    %lt3A_565 = arith.cmpi slt, %add3A, %lt3A_564 : vector<128x128xi32>
    %and3A_566 = arith.andi %eq3A_423, %lt3A_565 : vector<128x128xi1>
    %convert_element_type3A_567 = arith.extui %and3A_566 : vector<128x128xi1> to vector<128x128xi32>
    %reduce_sum3A_568 = vector.shape_cast %convert_element_type3A_567 : vector<128x128xi32> to vector<1x128x128xi32>
    %reduce_sum3A_569 = arith.constant dense<0> : vector<1xi32>
    %reduce_sum3A_570 = vector.multi_reduction <add>, %reduce_sum3A_568, %reduce_sum3A_569 [1, 2] : vector<1x128x128xi32> to vector<1xi32>
    %reduce_sum3A_571 = vector.shape_cast %reduce_sum3A_570 : vector<1xi32> to vector<1x1x1xi32>
    %reduce_sum3A_572 = vector.extract %reduce_sum3A_571[0, 0, 0] : i32 from vector<1x1x1xi32>
    %lt3A_573 = arith.cmpi slt, %reduce_sum3A_572, %sub3A_431 : i32
    %select_n3A_574 = arith.select %lt3A_573, %add3A_563, %select_n3A_561 : i32
    %add3A_575 = arith.constant 8 : i32
    %add3A_576 = arith.addi %select_n3A_574, %add3A_575 : i32
    %lt3A_577 = vector.broadcast %add3A_576 : i32 to vector<128x128xi32>
    %lt3A_578 = arith.cmpi slt, %add3A, %lt3A_577 : vector<128x128xi32>
    %and3A_579 = arith.andi %eq3A_423, %lt3A_578 : vector<128x128xi1>
    %convert_element_type3A_580 = arith.extui %and3A_579 : vector<128x128xi1> to vector<128x128xi32>
    %reduce_sum3A_581 = vector.shape_cast %convert_element_type3A_580 : vector<128x128xi32> to vector<1x128x128xi32>
    %reduce_sum3A_582 = arith.constant dense<0> : vector<1xi32>
    %reduce_sum3A_583 = vector.multi_reduction <add>, %reduce_sum3A_581, %reduce_sum3A_582 [1, 2] : vector<1x128x128xi32> to vector<1xi32>
    %reduce_sum3A_584 = vector.shape_cast %reduce_sum3A_583 : vector<1xi32> to vector<1x1x1xi32>
    %reduce_sum3A_585 = vector.extract %reduce_sum3A_584[0, 0, 0] : i32 from vector<1x1x1xi32>
    %lt3A_586 = arith.cmpi slt, %reduce_sum3A_585, %sub3A_431 : i32
    %select_n3A_587 = arith.select %lt3A_586, %add3A_576, %select_n3A_574 : i32
    %add3A_588 = arith.constant 4 : i32
    %add3A_589 = arith.addi %select_n3A_587, %add3A_588 : i32
    %lt3A_590 = vector.broadcast %add3A_589 : i32 to vector<128x128xi32>
    %lt3A_591 = arith.cmpi slt, %add3A, %lt3A_590 : vector<128x128xi32>
    %and3A_592 = arith.andi %eq3A_423, %lt3A_591 : vector<128x128xi1>
    %convert_element_type3A_593 = arith.extui %and3A_592 : vector<128x128xi1> to vector<128x128xi32>
    %reduce_sum3A_594 = vector.shape_cast %convert_element_type3A_593 : vector<128x128xi32> to vector<1x128x128xi32>
    %reduce_sum3A_595 = arith.constant dense<0> : vector<1xi32>
    %reduce_sum3A_596 = vector.multi_reduction <add>, %reduce_sum3A_594, %reduce_sum3A_595 [1, 2] : vector<1x128x128xi32> to vector<1xi32>
    %reduce_sum3A_597 = vector.shape_cast %reduce_sum3A_596 : vector<1xi32> to vector<1x1x1xi32>
    %reduce_sum3A_598 = vector.extract %reduce_sum3A_597[0, 0, 0] : i32 from vector<1x1x1xi32>
    %lt3A_599 = arith.cmpi slt, %reduce_sum3A_598, %sub3A_431 : i32
    %select_n3A_600 = arith.select %lt3A_599, %add3A_589, %select_n3A_587 : i32
    %add3A_601 = arith.constant 2 : i32
    %add3A_602 = arith.addi %select_n3A_600, %add3A_601 : i32
    %lt3A_603 = vector.broadcast %add3A_602 : i32 to vector<128x128xi32>
    %lt3A_604 = arith.cmpi slt, %add3A, %lt3A_603 : vector<128x128xi32>
    %and3A_605 = arith.andi %eq3A_423, %lt3A_604 : vector<128x128xi1>
    %convert_element_type3A_606 = arith.extui %and3A_605 : vector<128x128xi1> to vector<128x128xi32>
    %reduce_sum3A_607 = vector.shape_cast %convert_element_type3A_606 : vector<128x128xi32> to vector<1x128x128xi32>
    %reduce_sum3A_608 = arith.constant dense<0> : vector<1xi32>
    %reduce_sum3A_609 = vector.multi_reduction <add>, %reduce_sum3A_607, %reduce_sum3A_608 [1, 2] : vector<1x128x128xi32> to vector<1xi32>
    %reduce_sum3A_610 = vector.shape_cast %reduce_sum3A_609 : vector<1xi32> to vector<1x1x1xi32>
    %reduce_sum3A_611 = vector.extract %reduce_sum3A_610[0, 0, 0] : i32 from vector<1x1x1xi32>
    %lt3A_612 = arith.cmpi slt, %reduce_sum3A_611, %sub3A_431 : i32
    %select_n3A_613 = arith.select %lt3A_612, %add3A_602, %select_n3A_600 : i32
    %add3A_614 = arith.constant 1 : i32
    %add3A_615 = arith.addi %select_n3A_613, %add3A_614 : i32
    %lt3A_616 = vector.broadcast %add3A_615 : i32 to vector<128x128xi32>
    %lt3A_617 = arith.cmpi slt, %add3A, %lt3A_616 : vector<128x128xi32>
    %and3A_618 = arith.andi %eq3A_423, %lt3A_617 : vector<128x128xi1>
    %convert_element_type3A_619 = arith.extui %and3A_618 : vector<128x128xi1> to vector<128x128xi32>
    %reduce_sum3A_620 = vector.shape_cast %convert_element_type3A_619 : vector<128x128xi32> to vector<1x128x128xi32>
    %reduce_sum3A_621 = arith.constant dense<0> : vector<1xi32>
    %reduce_sum3A_622 = vector.multi_reduction <add>, %reduce_sum3A_620, %reduce_sum3A_621 [1, 2] : vector<1x128x128xi32> to vector<1xi32>
    %reduce_sum3A_623 = vector.shape_cast %reduce_sum3A_622 : vector<1xi32> to vector<1x1x1xi32>
    %reduce_sum3A_624 = vector.extract %reduce_sum3A_623[0, 0, 0] : i32 from vector<1x1x1xi32>
    %lt3A_625 = arith.cmpi slt, %reduce_sum3A_624, %sub3A_431 : i32
    %select_n3A_626 = arith.select %lt3A_625, %add3A_615, %select_n3A_613 : i32
    %gt3A_627 = vector.broadcast %select_n3A_422 : i32 to vector<128x128xi32>
    %gt3A_628 = arith.cmpi sgt, %select_n3A, %gt3A_627 : vector<128x128xi32>
    %le3A = vector.broadcast %select_n3A_626 : i32 to vector<128x128xi32>
    %le3A_629 = arith.cmpi sle, %add3A, %le3A : vector<128x128xi32>
    %and3A_630 = arith.andi %eq3A_423, %le3A_629 : vector<128x128xi1>
    %or3A = arith.ori %gt3A_628, %and3A_630 : vector<128x128xi1>
    %convert_element_type3A_631 = arith.extui %or3A : vector<128x128xi1> to vector<128x128xi32>
    %convert_element_type3A_632 = arith.sitofp %convert_element_type3A_631 : vector<128x128xi32> to vector<128x128xf32>
    %le3A_633 = arith.cmpi sle, %iota3A, %iota3A_6 : vector<128x128xi32>
    %convert_element_type3A_634 = arith.extui %le3A_633 : vector<128x128xi1> to vector<128x128xi32>
    %convert_element_type3A_635 = arith.sitofp %convert_element_type3A_634 : vector<128x128xi32> to vector<128x128xf32>
    %dot_general3A = arith.constant dense<0.000000e+00> : vector<128x128xf32>
    %dot_general3A_636 = tpu.matmul %convert_element_type3A_632, %convert_element_type3A_635, %dot_general3A {dimension_numbers = #tpu.dot_dimension_numbers<[1], [0], [0], [1], [0, 0, 1, 1], [], []>, transpose_lhs_hint = false} : vector<128x128xf32>, vector<128x128xf32>, vector<128x128xf32> -> vector<128x128xf32>
    %slice3A = vector.extract_strided_slice %dot_general3A_636 {offsets = [0, 127], sizes = [128, 1], strides = [1, 1]} : vector<128x128xf32> to vector<128x1xf32>
    %lt3A_637 = arith.cmpi slt, %iota3A_6, %iota3A : vector<128x128xi32>
    %convert_element_type3A_638 = arith.extui %lt3A_637 : vector<128x128xi1> to vector<128x128xi32>
    %convert_element_type3A_639 = arith.sitofp %convert_element_type3A_638 : vector<128x128xi32> to vector<128x128xf32>
    %dot_general3A_640 = arith.constant dense<0.000000e+00> : vector<128x1xf32>
    %dot_general3A_641 = tpu.matmul %convert_element_type3A_639, %slice3A, %dot_general3A_640 {dimension_numbers = #tpu.dot_dimension_numbers<[1], [0], [0], [1], [0, 0, 1, 1], [], []>, transpose_lhs_hint = false} : vector<128x128xf32>, vector<128x1xf32>, vector<128x1xf32> -> vector<128x1xf32>
    %add3A_642 = vector.broadcast %dot_general3A_641 : vector<128x1xf32> to vector<128x128xf32>
    %add3A_643 = arith.addf %add3A_642, %dot_general3A_636 : vector<128x128xf32>
    %sub3A_644 = arith.subf %add3A_643, %convert_element_type3A_632 : vector<128x128xf32>
    %jit3A_645 = arith.constant -1.000000e+00 : f32
    %broadcast_in_dim3A = vector.broadcast %jit3A_645 : f32 to vector<128x128xf32>
    %select_n3A_646 = arith.select %or3A, %sub3A_644, %broadcast_in_dim3A : vector<128x128xi1>, vector<128x128xf32>
    %swap3A = arith.constant 0 : index
    %swap3A_647 = arith.constant 0 : index
    %swap3A_648 = vector.load %arg1[%swap3A, %swap3A_647] : memref<128x128xf32, #tpu.memory_space<vmem>>, vector<128x128xf32>
    tpu.vector_store %arg1[%swap3A, %swap3A_647], %select_n3A_646 {strides = array<i32>} : memref<128x128xf32, #tpu.memory_space<vmem>>, vector<128x128xf32>,
    return
  }
}

module attributes {stable_mosaic.version = 14 : i64} {
  func.func @_gap_kernel(%arg0: i32, %arg1: memref<2048x1000xf32, #tpu.memory_space<vmem>>, %arg2: memref<2048x1xf32, #tpu.memory_space<vmem>>, %arg3: memref<2048x1xi32, #tpu.memory_space<vmem>>) attributes {dimension_semantics = [#tpu.dimension_semantics<parallel>], iteration_bounds = array<i64: 8>, scalar_prefetch = 0 : i64, scratch_operands = 0 : i64, tpu.core_type = #tpu.core_type<tc>, window_params = [{transform_indices = @transform_0, window_bounds = array<i64: 2048, 1000>}, {transform_indices = @transform_1, window_bounds = array<i64: 2048, 1>}, {transform_indices = @transform_2, window_bounds = array<i64: 2048, 1>}]} {
    %get3A = arith.constant 0 : index
    %get3A_0 = arith.constant 0 : index
    %get3A_1 = vector.load %arg1[%get3A, %get3A_0] : memref<2048x1000xf32, #tpu.memory_space<vmem>>, vector<2048x1000xf32>
    %reduce_max3A = arith.constant dense<0xFF800000> : vector<2048xf32>
    %reduce_max3A_2 = vector.multi_reduction <maximumf>, %get3A_1, %reduce_max3A [1] : vector<2048x1000xf32> to vector<2048xf32>
    %broadcast_in_dim3A = vector.shape_cast %reduce_max3A_2 : vector<2048xf32> to vector<2048x1xf32>
    %iota3A = tpu.iota {dimensions = array<i32: 1>} : vector<2048x1000xi32>
    %eq3A = vector.broadcast %broadcast_in_dim3A : vector<2048x1xf32> to vector<2048x1000xf32>
    %eq3A_3 = arith.cmpf oeq, %get3A_1, %eq3A : vector<2048x1000xf32>
    %jit3A = arith.constant 1000 : i32
    %broadcast_in_dim3A_4 = vector.broadcast %jit3A : i32 to vector<2048x1000xi32>
    %select_n3A = arith.select %eq3A_3, %iota3A, %broadcast_in_dim3A_4 : vector<2048x1000xi1>, vector<2048x1000xi32>
    %reduce_min3A = arith.constant dense<2147483647> : vector<2048xi32>
    %reduce_min3A_5 = vector.multi_reduction <minsi>, %select_n3A, %reduce_min3A [1] : vector<2048x1000xi32> to vector<2048xi32>
    %broadcast_in_dim3A_6 = vector.shape_cast %reduce_min3A_5 : vector<2048xi32> to vector<2048x1xi32>
    %swap3A = arith.constant 0 : index
    %swap3A_7 = arith.constant 0 : index
    %swap3A_8 = vector.load %arg2[%swap3A, %swap3A_7] : memref<2048x1xf32, #tpu.memory_space<vmem>>, vector<2048x1xf32>
    tpu.vector_store %arg2[%swap3A, %swap3A_7], %broadcast_in_dim3A {strides = array<i32>} : memref<2048x1xf32, #tpu.memory_space<vmem>>, vector<2048x1xf32>,
    %swap3A_9 = arith.constant 0 : index
    %swap3A_10 = arith.constant 0 : index
    %swap3A_11 = vector.load %arg3[%swap3A_9, %swap3A_10] : memref<2048x1xi32, #tpu.memory_space<vmem>>, vector<2048x1xi32>
    tpu.vector_store %arg3[%swap3A_9, %swap3A_10], %broadcast_in_dim3A_6 {strides = array<i32>} : memref<2048x1xi32, #tpu.memory_space<vmem>>, vector<2048x1xi32>,
    return
  }
  func.func @transform_0(%arg0: i32) -> (i32, i32) {
    %c0_i32 = arith.constant 0 : i32
    %c0_i32_0 = arith.constant 0 : i32
    return %arg0, %c0_i32 : i32, i32
  }
  func.func @transform_1(%arg0: i32) -> (i32, i32) {
    %c0_i32 = arith.constant 0 : i32
    %c0_i32_0 = arith.constant 0 : i32
    return %arg0, %c0_i32 : i32, i32
  }
  func.func @transform_2(%arg0: i32) -> (i32, i32) {
    %c0_i32 = arith.constant 0 : i32
    %c0_i32_0 = arith.constant 0 : i32
    return %arg0, %c0_i32 : i32, i32
  }
}

module attributes {stable_mosaic.version = 14 : i64} {
  func.func @_finish_kernel(%arg0: memref<3x32x192xf32, #tpu.memory_space<vmem>>, %arg1: memref<1x1xf32, #tpu.memory_space<smem>>) attributes {dimension_semantics = [], scalar_prefetch = 0 : i64, scratch_operands = 0 : i64, tpu.core_type = #tpu.core_type<tc>} {
    %get3A = arith.constant 0 : index
    %get3A_0 = arith.constant 0 : index
    %get3A_1 = arith.constant 0 : index
    %get3A_2 = vector.load %arg0[%get3A, %get3A_0, %get3A_1] : memref<3x32x192xf32, #tpu.memory_space<vmem>>, vector<3x32x192xf32>
    %slice3A = vector.extract_strided_slice %get3A_2 {offsets = [0, 0, 0], sizes = [1, 32, 192], strides = [1, 1, 1]} : vector<3x32x192xf32> to vector<1x32x192xf32>
    %squeeze3A = vector.shape_cast %slice3A : vector<1x32x192xf32> to vector<32x192xf32>
    %slice3A_3 = vector.extract_strided_slice %get3A_2 {offsets = [1, 0, 0], sizes = [1, 32, 192], strides = [1, 1, 1]} : vector<3x32x192xf32> to vector<1x32x192xf32>
    %squeeze3A_4 = vector.shape_cast %slice3A_3 : vector<1x32x192xf32> to vector<32x192xf32>
    %slice3A_5 = vector.extract_strided_slice %get3A_2 {offsets = [2, 0, 0], sizes = [1, 32, 192], strides = [1, 1, 1]} : vector<3x32x192xf32> to vector<1x32x192xf32>
    %squeeze3A_6 = vector.shape_cast %slice3A_5 : vector<1x32x192xf32> to vector<32x192xf32>
    %iota3A = tpu.iota {dimensions = array<i32: 0>} : vector<32x192xi32>
    %iota3A_7 = tpu.iota {dimensions = array<i32: 1>} : vector<32x192xi32>
    %lt3A = arith.constant 176 : i32
    %lt3A_8 = vector.broadcast %lt3A : i32 to vector<32x192xi32>
    %lt3A_9 = arith.cmpi slt, %iota3A_7, %lt3A_8 : vector<32x192xi32>
    %mul3A = arith.constant 176 : i32
    %mul3A_10 = vector.broadcast %mul3A : i32 to vector<32x192xi32>
    %mul3A_11 = arith.muli %iota3A, %mul3A_10 : vector<32x192xi32>
    %add3A = arith.addi %mul3A_11, %iota3A_7 : vector<32x192xi32>
    %lt3A_12 = arith.constant 5461 : i32
    %lt3A_13 = vector.broadcast %lt3A_12 : i32 to vector<32x192xi32>
    %lt3A_14 = arith.cmpi slt, %add3A, %lt3A_13 : vector<32x192xi32>
    %and3A = arith.andi %lt3A_9, %lt3A_14 : vector<32x192xi1>
    %log3A = math.log %squeeze3A_4 : vector<32x192xf32>
    %add3A_15 = arith.addf %squeeze3A, %log3A : vector<32x192xf32>
    %sub3A = arith.subf %add3A_15, %squeeze3A_6 : vector<32x192xf32>
    %jit3A = arith.constant 0.000000e+00 : f32
    %broadcast_in_dim3A = vector.broadcast %jit3A : f32 to vector<32x192xf32>
    %select_n3A = arith.select %and3A, %sub3A, %broadcast_in_dim3A : vector<32x192xi1>, vector<32x192xf32>
    %reduce_sum3A = vector.shape_cast %select_n3A : vector<32x192xf32> to vector<1x32x192xf32>
    %reduce_sum3A_16 = arith.constant dense<0.000000e+00> : vector<1xf32>
    %reduce_sum3A_17 = vector.multi_reduction <add>, %reduce_sum3A, %reduce_sum3A_16 [1, 2] : vector<1x32x192xf32> to vector<1xf32>
    %reduce_sum3A_18 = vector.shape_cast %reduce_sum3A_17 : vector<1xf32> to vector<1x1x1xf32>
    %reduce_sum3A_19 = vector.extract %reduce_sum3A_18[0, 0, 0] : f32 from vector<1x1x1xf32>
    %div3A = arith.constant 5.461000e+03 : f32
    %div3A_20 = arith.divf %reduce_sum3A_19, %div3A : f32
    %swap3A = arith.constant 0 : index
    %swap3A_21 = arith.constant 0 : index
    %swap3A_22 = memref.load %arg1[%swap3A, %swap3A_21] : memref<1x1xf32, #tpu.memory_space<smem>>
    memref.store %div3A_20, %arg1[%swap3A, %swap3A_21] : memref<1x1xf32, #tpu.memory_space<smem>>
    return
  }
}

</mosaic_0001>

<sc_bundles>
// kernel: kernel.6.cloned.1.call-start
scs
__scs_entry_jumppad:
0x0: {  	(pc) =	sbr.rel $0x88, $3  }
0x1: {  	(tag) =	ssettag $0x0;
	lr =	simm.s32 $0x1  }
0x2: {  	[smem:$0x3F9F] =	sst lr;
	_ =	strace $0xD0000000  }
0x3: {  	_ = 	snop  }
0x4: {  	_ = 	snop  }
0x5: {  	_ = 	snop  }
0x6: {  	_ = 	snop  }
0x7: {  	_ = 	snop  }
__scs_overlays_trampoline_lowered:
0x8: {  	[smem:$0x3FAE] =	sst s0  }
0x9: {  	[smem:$0x3FAF] =	sst s1  }
0xa: {  	[smem:$0x3FB0] =	sst s2  }
0xb: {  	[smem:$0x3FB1] =	sst s3  }
0xc: {  	[smem:$0x3FB2] =	sst s4  }
0xd: {  	[smem:$0x3FB3] =	sst s5  }
0xe: {  	[smem:$0x3FB4] =	sst s6  }
0xf: {  	[smem:$0x3FB5] =	sst s7  }
0x10: {  	[smem:$0x3FB6] =	sst s8  }
0x11: {  	[smem:$0x3FB7] =	sst s9;
	s0 =	simm.s32 @!p0 $0x0  }
0x12: {  	s1 =	sld [smem:$0x3F9D];
	s0 =	simm.s32 @p0 $0x1  }
0x13: {  	[smem:$0x3FB8] =	sst s0;
	s0 =	simm.s32 @!p1 $0x0  }
0x14: {  	s2 =	sld [smem:$0x3F9C];
	s0 =	simm.s32 @p1 $0x1  }
0x15: {  	[smem:$0x3FB9] =	sst s0;
	s0 =	simm.s32 @!p2 $0x0  }
0x16: {  	s3 =	sld [smem:$0x3FDB];
	s0 =	simm.s32 @p2 $0x1  }
0x17: {  	s4 =	simm.s32 $0x1BF5;
	[smem:$0x3FBB] =	sst s0  }
0x18: {  	s0 =	sld [smem:$0x3F9E];
	_ =	swait.ge [sflag:s4], $0x0  }
0x19: {  	s7 =	sld [smem:$0x3F9F]  }
0x1a: {  	s8 =	sadd.s32 $0xFFFFE003, lr  }
0x1b: {  	s9 =	sadd.s32 $0xFFFFFEF7, lr;
	s5 =	simm.s32 $0xFFFFFFFF;
	p2 =	slt.u32 s8, $0xFFFFF086  }
0x1c: {  	p1 =	slt.u32 s9, $0xF7A;
	s5 =	simm.s32 @!p2 $0x0  }
0x1d: {  	s5 =	simm.s32 @p1 $0x1;
	p0 =	seq.s32 s7, s2  }
0x1e: {  	s7 =	smul.u32 @!p0 $0xF7A, s2;
	p2 =	seq.s32 @!p0 s5, $0x0  }
0x1f: {  	s9 =	smul.u32 $0xF7A, s1;
	s8 =	simm.s32 @!p0 $0x1BF5;
	p2 =	por !p2, p0  }
0x20: {  	[sflag:s8] =	ssyncset.s32 @!p0 $0xFFFFF086;
	s6 =	sadd.s32 @!p0 s3, s7;
	s7 =	simm.s32 @!p0 $0x108  }
0x21: {  	s3 =	sadd.s32 s3, s9;
	s6 =	sadd.s32 @!p0 $0x88, s6;
	s7 =	simm.s32 @p2 $0x1082  }
0x22: {  	[simem:s7], [sflag:s8] =	dma.local @!p0 [hbm:s6], $0xF7A  }
0x23: {  	s9 =	sor.u32 $0xD0000000, s2;
	s6 =	simm.s32 $0x108;
	_ =	swait.ge @!p0 [sflag:s8], $0x0  }
0x24: {  	s3 =	sadd.s32 $0x88, s3;
	s6 =	simm.s32 @!p1 $0x1082;
	[sflag:s4] =	ssyncset.s32 $0xFFFFF086  }
0x25: {  	[simem:s6], [sflag:s4] =	dma.local [hbm:s3], $0xF7A  }
0x26: {  	[smem:$0x3F9F] =	sst s1;
	(tag) =	ssettag s2;
	_ =	strace s9  }
0x27: {  	s1 =	sld [smem:$0x3FAF]  }
0x28: {  	s2 =	sld [smem:$0x3FB0]  }
0x29: {  	s4 =	sld [smem:$0x3FB2]  }
0x2a: {  	p0 =	seq.s32 s5, $0x0;
	s5 =	sld [smem:$0x3FB3]  }
0x2b: {  	s6 =	sld [smem:$0x3FB4]  }
0x2c: {  	s7 =	sld [smem:$0x3FB5]  }
0x2d: {  	s3 =	simm.s32 $0x108;
	s8 =	sld [smem:$0x3FB6]  }
0x2e: {  	s3 =	simm.s32 @!p0 $0x1082;
	s9 =	sld [smem:$0x3FB7]  }
0x2f: {  	lr =	sadd.s32 s0, s3;
	s0 =	sld [smem:$0x3FAE]  }
0x30: {  	s3 =	sld [smem:$0x3FB1]  }
0x31: {  	[smem:$0x3FBA] =	sst s10  }
0x32: {  	s10 =	sld [smem:$0x3FB8];
	_ =	sdelay $0x3  }
0x33: {  	p0 =	seq.s32 s10, $0x1;
	s10 =	sld [smem:$0x3FBA];
	_ =	sdelay $0x3  }
0x34: {  	[smem:$0x3FBA] =	sst s10  }
0x35: {  	s10 =	sld [smem:$0x3FB9];
	_ =	sdelay $0x3  }
0x36: {  	p1 =	seq.s32 s10, $0x1;
	s10 =	sld [smem:$0x3FBA];
	_ =	sdelay $0x3  }
0x37: {  	[smem:$0x3FBA] =	sst s10  }
0x38: {  	s10 =	sld [smem:$0x3FBB]  }
0x39: {  	_ = 	snop;
	(pc) =	sbr.ind lr, $3  }
0x3a: {  	_ = 	snop  }
0x3b: {  	_ = 	snop  }
0x3c: {  	p2 =	seq.s32 s10, $0x1;
	s10 =	sld [smem:$0x3FBA]  }
0x3d: {  	_ =	shalt  }
0x3e: {  	_ =	shalt  }
0x3f: {  	_ =	shalt  }
0x40: {  	_ =	shalt  }
0x41: {  	_ =	shalt  }
0x42: {  	_ =	shalt  }
0x43: {  	_ =	shalt  }
0x44: {  	_ =	shalt  }
0x45: {  	_ =	shalt  }
0x46: {  	_ =	shalt  }
0x47: {  	_ =	shalt  }
0x48: {  	_ =	shalt  }
0x49: {  	_ =	shalt  }
0x4a: {  	_ =	shalt  }
0x4b: {  	_ =	shalt  }
0x4c: {  	_ =	shalt  }
0x4d: {  	_ =	shalt  }
0x4e: {  	_ =	shalt  }
0x4f: {  	_ =	shalt  }
0x50: {  	_ =	shalt  }
0x51: {  	_ =	shalt  }
0x52: {  	_ =	shalt  }
0x53: {  	_ =	shalt  }
0x54: {  	_ =	shalt  }
0x55: {  	_ =	shalt  }
0x56: {  	_ =	shalt  }
0x57: {  	_ =	shalt  }
0x58: {  	_ =	shalt  }
0x59: {  	_ =	shalt  }
0x5a: {  	_ =	shalt  }
0x5b: {  	_ =	shalt  }
0x5c: {  	_ =	shalt  }
0x5d: {  	_ =	shalt  }
0x5e: {  	_ =	shalt  }
0x5f: {  	_ =	shalt  }
0x60: {  	_ =	shalt  }
0x61: {  	_ =	shalt  }
0x62: {  	_ =	shalt  }
0x63: {  	_ =	shalt  }
0x64: {  	_ =	shalt  }
0x65: {  	_ =	shalt  }
0x66: {  	_ =	shalt  }
0x67: {  	_ =	shalt  }
0x68: {  	_ =	shalt  }
0x69: {  	_ =	shalt  }
0x6a: {  	_ =	shalt  }
0x6b: {  	_ =	shalt  }
0x6c: {  	_ =	shalt  }
0x6d: {  	_ =	shalt  }
0x6e: {  	_ =	shalt  }
0x6f: {  	_ =	shalt  }
0x70: {  	_ =	shalt  }
0x71: {  	_ =	shalt  }
0x72: {  	_ =	shalt  }
0x73: {  	_ =	shalt  }
0x74: {  	_ =	shalt  }
0x75: {  	_ =	shalt  }
0x76: {  	_ =	shalt  }
0x77: {  	_ =	shalt  }
0x78: {  	_ =	shalt  }
0x79: {  	_ =	shalt  }
0x7a: {  	_ =	shalt  }
0x7b: {  	_ =	shalt  }
0x7c: {  	_ =	shalt  }
0x7d: {  	_ =	shalt  }
0x7e: {  	_ =	shalt  }
0x7f: {  	_ =	shalt  }
0x80: {  	_ =	shalt  }
0x81: {  	_ =	shalt  }
0x82: {  	_ =	shalt  }
0x83: {  	_ =	shalt  }
0x84: {  	_ =	shalt  }
0x85: {  	_ =	shalt  }
0x86: {  	_ =	shalt  }
0x87: {  	_ =	shalt  }
.Lfunc_end0:
.L_simem_size_0:
called_computation_lowered:
.L_overlay_start_0:
0x88: {  	s2 =	sld [smem:$0x3FD9]  }
0x89: {  	s3 =	sld [smem:$0x3FFE];
	_ =	sdelay $0x1  }
0x8a: {  	s1 =	srdreg.scid  }
0x8b: {  	s0 =	sand.u32 $0x1, s1  }
0x8c: {  	s16 =	sshll.u32 s0, $0xA;
	s2 =	sadd.s32 s3, s2  }
0x8d: {  	s2 =	sadd.s32 s2, s16  }
0x8e: {  	[smem:$0x3FC6] =	sst s2  }
0x8f: {  	_ = 	snop  }
0x90: {  	(tm) =	ssettm $0x1  }
0x91: {  	s17 =	sld [smem:$0x3FFB];
	_ =	sdelay $0x3  }
0x92: {  	_ =	strace s17  }
0x93: {  	s2 =	sld [smem:$0x3FFC];
	_ =	sdelay $0x3  }
0x94: {  	_ =	strace s2  }
0x95: {  	s2 =	sld [smem:$0x3FFD];
	_ =	sdelay $0x3  }
0x96: {  	_ =	strace s2  }
0x97: {  	_ =	strace $0x8FFFFFFF  }
0x98: {  	s18 =	sld [smem:$0x3FDB];
	_ =	sdelay $0x1  }
0x99: {  	s19 =	simm.s32 $_scs_section_size  }
0x9a: {  	s4 =	simm.s32 $_size__tile_overlayer_lowered;
	s5 =	simm.s32 $_tile_overlayer_lowered  }
0x9b: {  	s22 =	simm.s32 $0x1BFF;
	s21 =	sshll.u32 s5, $0x1;
	s2 =	sadd.s32 s19, s18  }
0x9c: {  	s6 =	simm.s32 $0x0;
	s20 =	sshll.u32 s4, $0x1;
	s4 =	sadd.s32 s21, s2  }
0x9d: {  	[timem:s6], [sflag:s22] =	dma.local [hbm:s4], s20  }
0x9e: {  	_ =	swait.ge [sflag:s22], s20  }
0x9f: {  	s3 =	ssub.s32 $0x0, s20;
	[sflag:s22] =	ssyncset.done $0x0  }
0xa0: {  	[sflag:s22] =	ssyncadd.s32 s3;
	_ =	sdelay $0x1  }
0xa1: {  	s23 =	simm.s32 $0x1B8B  }
0xa2: {  	_ =	swait.ge [sflag:s23], $0x1  }
0xa3: {  	[sflag:s23] =	ssyncset.done $0x0  }
0xa4: {  	s25 =	simm.s32 $0x1B8E;
	s24 =	sld [smem:$0x3FFE];
	[sflag:s23] =	ssyncadd.s32 $0xFFFFFFFF  }
0xa5: {  	s26 =	simm.s32 $execute0_lowered;
	[smem:$0x3FD2] =	sst s25  }
0xa6: {  	s4 =	sshll.u32 s26, $0x1;
	_ =	strace $0x80000046;
	[dreg:$0x1] =	wrdreg $0xFFFFFFFF  }
0xa7: {  	s28 =	simm.s32 $_size_execute0_lowered;
	s2 =	sadd.s32 s2, s4;
	[dreg:$0x0] =	wrdreg $0x0  }
0xa8: {  	s4 =	sshll.u32 s28, $0x1;
	[dreg:$0x2] =	wrdreg s2  }
0xa9: {  	[dreg:$0x3] =	wrdreg s4  }
0xaa: {  	[dreg:$0x4] =	wrdreg $0xC0  }
0xab: {  	_ =	task [dreg:s6], $0x5FFFF  }
0xac: {  	[dreg:$0x1] =	wrdreg $0xFFFFFFFF  }
0xad: {  	[dreg:$0x0] =	wrdreg $0x60  }
0xae: {  	[dreg:$0x2] =	wrdreg s24  }
0xaf: {  	[dreg:$0x3] =	wrdreg $0x9  }
0xb0: {  	_ =	task.clear_ibuf [dreg:s6], $0x4FFFF;
	_ =	strace $0x90000046  }
0xb1: {  	s29 =	simm.s32 $0x9;
	_ =	strace $0x80000048  }
0xb2: {  	_ =	swait.ge [sflag:s29], $0x1  }
0xb3: {  	[sflag:s29] =	ssyncadd.s32 $0xFFFFFFFF  }
0xb4: {  	_ =	strace $0x90000048  }
0xb5: {  	_ =	sfence  }
0xb6: {  	s30 =	sld [smem:$0x0];
	_ =	sdelay $0x2  }
0xb7: {  	s31 =	sshll.u32 s1, $0xD;
	s1 =	sshrl.u32 s1, $0x2  }
0xb8: {  	s3 =	sand.u32 $0x4000, s31;
	s1 =	sadd.s32 s1, s30  }
0xb9: {  	s0 =	sor.u32 s3, s0;
	s1 =	sshll.u32 s1, $0x11  }
0xba: {  	s0 =	sor.u32 s1, s0  }
0xbb: {  	s0 =	sadd.s32 $0x8F2B, s0  }
0xbc: {  	[sflag:s0] =	ssyncadd.remote.s32 $0x1  }
0xbd: {  	_ =	sfence.sel $0xFFFF  }
0xbe: {  	[dreg:$0x0] =	wrdreg $0xFFFFFFFF;
	(pc) =	sbr.abs _section_cstart, $3  }
0xbf: {  	[dreg:$0x1] =	wrdreg $0xFFFFFFFF  }
0xc0: {  	_ =	task.clear_ibuf [dreg:s6], $0x2FFFF;
	_ =	strace $0x9FFFFFFF  }
0xc1: {  	(tm) =	ssettm $0x7FFFFFFF  }
tec
execute0_lowered:
.L_overlay_start_1:
0x0: {  	(tag) =	ssettag $0x1  }
0x1: {  	s3 =	rddreg [dreg:$0x0];
	s4 =	simm.s32 $0x0  }
0x2: {  	[smem:$0x7FF] =	sst s4  }
0x3: {  	s0 =	rddreg [dreg:$0x1];
	s1 =	simm.s32 $0x1;
	_ =	strace $0x80000047  }
0x4: {  	[tilespmem:s4], [sflag:$0x1] =	stream.linear.gather [hbm4b:s3+s4], $0x4000, $0x38;
	[tilespmem:$0x8300] =	vst v63  }
0x5: {  	_ =	swait.ge [sflag:s1], $0x4000  }
0x6: {  	[sflag:s1] =	ssyncset.done $0x0  }
0x7: {  	s7 =	simm.s32 $0x4000;
	s5 =	sadd.s32 $0x200800, s3;
	[sflag:s1] =	ssyncadd.s32 $0xFFFFC000  }
0x8: {  	[tilespmem:s7], [sflag:$0x1] =	stream.linear.gather [hbm4b:s5+s4], $0x4000, $0x38;
	[tilespmem:$0x8300] =	vst v63  }
0x9: {  	_ =	swait.ge [sflag:s1], $0x4000  }
0xa: {  	[sflag:s1] =	ssyncset.done $0x0  }
0xb: {  	v0 =	vimm.f32 $0.0e+00;
	[sflag:s1] =	ssyncadd.s32 $0xFFFFC000  }
0xc: {  	v1 =	vimm.f32 $1.000000000e+00;
	s6 =	srdreg.scid;
	[tilespmem:$0x82B0] =	vst v0  }
0xd: {  	s6 =	sand.u32 $0x1, s6;
	[tilespmem:$0x81B0] =	vst v1  }
0xe: {  	s10 =	sshll.u32 s6, $0x4;
	s6 =	ssub.s32 $0x2, s6;
	[tilespmem:$0x80B0] =	vst v0  }
0xf: {  	s30 =	sshrl.u32 s6, $0x1;
	[tilespmem:$0x82A0] =	vst v0  }
0x10: {  	s2 =	stileid.u32;
	s31 =	ssub.s32 s6, s30;
	[tilespmem:$0x81A0] =	vst v1  }
0x11: {  	s8 =	sshll.u32 s2, $0x5;
	s15 =	smax.u32 s31, $0x1;
	[tilespmem:$0x80A0] =	vst v0  }
0x12: {  	s9 =	sshll.u32 s2, $0x6;
	s8 =	sand.u32 $0x60, s8;
	p0 =	sne.s32 s15, $0x1;
	[tilespmem:$0x8290] =	vst v0  }
.Ltmp0:
0x13: {  	s9 =	sand.u32 $0x300, s9;
	s8 =	sor.u32 s10, s8;
	[tilespmem:$0x8190] =	vst v1;
	(pc) =	sbr.rel @!p0 .LBB2_2-.Ltmp0, $4  }
0x14: {  	s14 =	simm.s32 $0x8000;
	s8 =	sor.u32 s9, s8;
	[tilespmem:$0x8090] =	vst v0  }
0x15: {  	s13 =	simm.s32 $0x8100;
	s12 =	simm.s32 $0x8200;
	s9 =	sadd.s32 s8, s3;
	[tilespmem:$0x8280] =	vst v0  }
0x16: {  	s10 =	simm.s32 $0x400;
	s11 =	sadd.s32 $0x201000, s9;
	s8 =	sadd.s32 $0x201400, s9;
	[tilespmem:$0x8180] =	vst v1  }
0x17: {  	s6 =	sadd.s32 $0x201800, s9;
	s9 =	simm.s32 $0x80;
	s15 =	sadd.s32 $0xFFFFFFFF, s15;
	[tilespmem:$0x8080] =	vst v0  }
.LBB2_1:
0x18: {  	p0 =	sne.s32 s15, $0x1;
	s15 =	sadd.s32 $0xFFFFFFFF, s15;
	[tilespmem:$0x8270] =	vst v0  }
0x19: {  	[tilespmem:$0x8170] =	vst v1  }
0x1a: {  	[tilespmem:$0x8070] =	vst v0  }
0x1b: {  	[tilespmem:$0x8260] =	vst v0  }
0x1c: {  	[tilespmem:$0x8160] =	vst v1  }
0x1d: {  	[tilespmem:$0x8060] =	vst v0  }
0x1e: {  	[tilespmem:$0x8250] =	vst v0  }
0x1f: {  	[tilespmem:$0x8150] =	vst v1  }
0x20: {  	[tilespmem:$0x8050] =	vst v0  }
0x21: {  	[tilespmem:$0x8240] =	vst v0  }
0x22: {  	[tilespmem:$0x8140] =	vst v1  }
0x23: {  	[tilespmem:$0x8040] =	vst v0  }
0x24: {  	[tilespmem:$0x8230] =	vst v0  }
0x25: {  	[tilespmem:$0x8130] =	vst v1  }
0x26: {  	[tilespmem:$0x8030] =	vst v0  }
0x27: {  	[tilespmem:$0x8220] =	vst v0  }
0x28: {  	[tilespmem:$0x8120] =	vst v1  }
0x29: {  	[tilespmem:$0x8020] =	vst v0  }
0x2a: {  	[tilespmem:$0x8210] =	vst v0  }
0x2b: {  	[tilespmem:$0x8110] =	vst v1  }
0x2c: {  	[tilespmem:$0x8010] =	vst v0  }
0x2d: {  	[tilespmem:$0x8200] =	vst v0  }
0x2e: {  	[tilespmem:$0x8000] =	vst v0  }
0x2f: {  	[tilespmem:$0x8100] =	vst v1  }
0x30: {  	[hbm4b:s11+s9] =	stream.strided.scatter [tilespmem:s14], [sflag:$0x1], $0x100, s10, s9, $0x38;
	[tilespmem:$0x8300] =	vst v63  }
0x31: {  	_ =	swait.ge [sflag:s1], $0x100  }
0x32: {  	[sflag:s1] =	ssyncset.done $0x0  }
0x33: {  	[sflag:s1] =	ssyncadd.s32 $0xFFFFFF00  }
0x34: {  	[hbm4b:s8+s9] =	stream.strided.scatter [tilespmem:s13], [sflag:$0x1], $0x100, s10, s9, $0x38;
	[tilespmem:$0x8300] =	vst v63  }
0x35: {  	_ =	swait.ge [sflag:s1], $0x100  }
0x36: {  	[sflag:s1] =	ssyncset.done $0x0  }
0x37: {  	[sflag:s1] =	ssyncadd.s32 $0xFFFFFF00  }
0x38: {  	[hbm4b:s6+s9] =	stream.strided.scatter [tilespmem:s12], [sflag:$0x1], $0x100, s10, s9, $0x38;
	[tilespmem:$0x8300] =	vst v63  }
0x39: {  	_ =	swait.ge [sflag:s1], $0x100  }
0x3a: {  	[sflag:s1] =	ssyncset.done $0x0  }
0x3b: {  	[sflag:s1] =	ssyncadd.s32 $0xFFFFFF00  }
0x3c: {  	[tilespmem:s4], [sflag:$0x1] =	stream.linear.gather [hbm4b:s3+s4], $0x4000, $0x38;
	[tilespmem:$0x8300] =	vst v63  }
0x3d: {  	_ =	swait.ge [sflag:s1], $0x4000  }
0x3e: {  	[sflag:s1] =	ssyncset.done $0x0  }
0x3f: {  	[sflag:s1] =	ssyncadd.s32 $0xFFFFC000  }
0x40: {  	[tilespmem:s7], [sflag:$0x1] =	stream.linear.gather [hbm4b:s5+s4], $0x4000, $0x38;
	[tilespmem:$0x8300] =	vst v63  }
0x41: {  	_ =	swait.ge [sflag:s1], $0x4000  }
0x42: {  	[sflag:s1] =	ssyncset.done $0x0  }
0x43: {  	[sflag:s1] =	ssyncadd.s32 $0xFFFFC000  }
0x44: {  	[tilespmem:$0x82B0] =	vst v0  }
0x45: {  	[tilespmem:$0x81B0] =	vst v1  }
0x46: {  	[tilespmem:$0x80B0] =	vst v0  }
0x47: {  	[tilespmem:$0x82A0] =	vst v0  }
0x48: {  	[tilespmem:$0x81A0] =	vst v1  }
0x49: {  	[tilespmem:$0x80A0] =	vst v0  }
0x4a: {  	[tilespmem:$0x8290] =	vst v0  }
.Ltmp1:
0x4b: {  	[tilespmem:$0x8190] =	vst v1;
	(pc) =	sbr.rel @p0 .LBB2_1-.Ltmp1, $4  }
0x4c: {  	[tilespmem:$0x8090] =	vst v0  }
0x4d: {  	[tilespmem:$0x8280] =	vst v0  }
0x4e: {  	[tilespmem:$0x8180] =	vst v1  }
0x4f: {  	[tilespmem:$0x8080] =	vst v0  }
.LBB2_2:
0x50: {  	[tilespmem:$0x8270] =	vst v0  }
0x51: {  	[tilespmem:$0x8170] =	vst v1  }
0x52: {  	[tilespmem:$0x8070] =	vst v0  }
0x53: {  	[tilespmem:$0x8260] =	vst v0  }
0x54: {  	[tilespmem:$0x8160] =	vst v1  }
0x55: {  	[tilespmem:$0x8060] =	vst v0  }
0x56: {  	[tilespmem:$0x8250] =	vst v0  }
0x57: {  	[tilespmem:$0x8150] =	vst v1  }
0x58: {  	[tilespmem:$0x8050] =	vst v0  }
0x59: {  	[tilespmem:$0x8240] =	vst v0  }
0x5a: {  	[tilespmem:$0x8140] =	vst v1  }
0x5b: {  	[tilespmem:$0x8040] =	vst v0  }
0x5c: {  	[tilespmem:$0x8230] =	vst v0  }
0x5d: {  	[tilespmem:$0x8130] =	vst v1  }
0x5e: {  	[tilespmem:$0x8030] =	vst v0  }
0x5f: {  	[tilespmem:$0x8220] =	vst v0  }
0x60: {  	[tilespmem:$0x8120] =	vst v1  }
0x61: {  	[tilespmem:$0x8020] =	vst v0  }
0x62: {  	[tilespmem:$0x8210] =	vst v0  }
0x63: {  	[tilespmem:$0x8110] =	vst v1  }
0x64: {  	[tilespmem:$0x8010] =	vst v0  }
0x65: {  	[tilespmem:$0x8200] =	vst v0  }
0x66: {  	[tilespmem:$0x8000] =	vst v0  }
0x67: {  	[tilespmem:$0x8100] =	vst v1  }
0x68: {  	[hbm4b:s11+s9] =	stream.strided.scatter [tilespmem:s14], [sflag:$0x1], $0x100, s10, s9, $0x38;
	[tilespmem:$0x8300] =	vst v63  }
0x69: {  	_ =	swait.ge [sflag:s1], $0x100  }
0x6a: {  	[sflag:s1] =	ssyncset.done $0x0  }
0x6b: {  	[sflag:s1] =	ssyncadd.s32 $0xFFFFFF00  }
0x6c: {  	[hbm4b:s8+s9] =	stream.strided.scatter [tilespmem:s13], [sflag:$0x1], $0x100, s10, s9, $0x38;
	[tilespmem:$0x8300] =	vst v63  }
0x6d: {  	_ =	swait.ge [sflag:s1], $0x100  }
0x6e: {  	[sflag:s1] =	ssyncset.done $0x0  }
0x6f: {  	[sflag:s1] =	ssyncadd.s32 $0xFFFFFF00  }
0x70: {  	[hbm4b:s6+s9] =	stream.strided.scatter [tilespmem:s12], [sflag:$0x1], $0x100, s10, s9, $0x38;
	[tilespmem:$0x8300] =	vst v63  }
0x71: {  	_ =	swait.ge [sflag:s1], $0x100  }
0x72: {  	[sflag:s1] =	ssyncset.done $0x0  }
0x73: {  	[sflag:s1] =	ssyncadd.s32 $0xFFFFFF00  }
0x74: {  	_ =	sfence.sel $0x180000  }
0x75: {  	[bflag:$0x0] =	sbarrier.arrive $0xFFFF  }
0x76: {  	p0 =	sne.s32 s2, $0x0;
	_ =	strace $0x90000047  }
0x77: {  	s0 =	sadd.s32 @!p0 $0x100000, s0;
	[bflag:$0x2] =	sbarrier.arrive $0xFFFF  }
0x78: {  	[sflag:s0] =	ssyncadd.tile.s32 @!p0 $0x1;
	_ =	shalt  }
.Lfunc_end2:
_tile_overlayer_lowered:
.L_overlay_start_2:
0x79: {  	(tag) =	ssettag $0x2  }
0x7a: {  	s0 =	rddreg [dreg:$0x0];
	s2 =	stileid.u32  }
0x7b: {  	s1 =	rddreg [dreg:$0x1];
	p0 =	sne.s32 s2, $0x0  }
0x7c: {  	s3 =	rddreg [dreg:$0x2];
	[bflag:$0x3] =	sbarrier.arrive $0xFFFF;
	s2 =	simm.s32 @!p0 $0x1C01  }
0x7d: {  	[timem:s3], [sflag:s2] =	dma.local @!p0 [hbm:s0], s1  }
0x7e: {  	s0 =	simm.s32 @!p0 $0x1  }
0x7f: {  	_ =	swait.ge @!p0 [sflag:s0], s1  }
0x80: {  	s1 =	ssub.s32 @!p0 $0x0, s1;
	[sflag:s0] =	ssyncset.done @!p0 $0x0  }
0x81: {  	[sflag:s0] =	ssyncadd.s32 @!p0 s1  }
0x82: {  	[bflag:$0x3] =	sbarrier.arrive $0xFFFF  }
0x83: {  	_ =	shalt  }

</sc_bundles>
